<compile_context>
chip_gen: v7x
topology: tpu7x:2x2x1
jax: 0.10.2.dev20260603
libtpu: 0.0.44.dev20260713+nightly
codegen_flags: <defaults>
</compile_context>

<pallas_src>
import functools

import jax
import jax.numpy as jnp
from jax import lax
from jax.experimental import pallas as pl
from jax.experimental.pallas import tpu as pltpu
from jax.experimental.pallas import tpu_sc as plsc

N = 10000
NP = 10240
DIN = 128
DH = 100
DP = 128
E = 320000
NS = 16
EPW = E // NS

LBR = 104
NBR = 193
EPR = NBR * LBR
PAD = N

RB = NP // NS
NZF = RB // LBR
RBT = RB - NZF * LBR

f32 = jnp.float32
i32 = jnp.int32
BLK = 2560



def _mm_body(x_ref, w_ref, o_ref):
    o_ref[...] = jnp.dot(x_ref[...], w_ref[...], preferred_element_type=f32)


def _tc_matmul(xp, w):
    return pl.pallas_call(
        _mm_body,
        grid=(NP // BLK,),
        in_specs=[pl.BlockSpec((BLK, DIN), lambda i: (i, 0)),
                  pl.BlockSpec((DIN, DP), lambda i: (0, 0))],
        out_specs=pl.BlockSpec((BLK, DP), lambda i: (i, 0)),
        out_shape=jax.ShapeDtypeStruct((NP, DP), f32),
    )(xp, w)


def _colsum(part):
    ones = jnp.ones((NS, 1), f32)
    return lax.dot_general(part, ones, (((0,), (0,)), ((), ())),
                           preferred_element_type=f32)


def _prep_body(degp_ref, h_ref, hp_ref, dinv_ref):
    deg = _colsum(degp_ref[...]) + 1.0
    dinv = 1.0 / jnp.sqrt(deg)
    dinv_ref[...] = dinv
    hp_ref[...] = h_ref[...] * dinv


def _tc_prep(degp, h):
    return pl.pallas_call(
        _prep_body,
        grid=(NP // BLK,),
        in_specs=[pl.BlockSpec((NS, BLK), lambda i: (0, i)),
                  pl.BlockSpec((BLK, DP), lambda i: (i, 0))],
        out_specs=[pl.BlockSpec((BLK, DP), lambda i: (i, 0)),
                   pl.BlockSpec((BLK, 1), lambda i: (i, 0))],
        out_shape=[jax.ShapeDtypeStruct((NP, DP), f32),
                   jax.ShapeDtypeStruct((NP, 1), f32)],
    )(degp, h)


def _mid_body(msg_ref, h_ref, dinv_ref, b1_ref, w2_ref, zp_ref, z_ref):
    dinv = dinv_ref[...]
    h1 = jnp.maximum(dinv * msg_ref[...] + (dinv * dinv) * h_ref[...]
                     + b1_ref[...], 0.0)
    z = jnp.dot(h1, w2_ref[...], preferred_element_type=f32)
    z_ref[...] = z
    zp_ref[...] = dinv * z


def _tc_mid(msg1, h, dinv, b1p, w2p):
    return pl.pallas_call(
        _mid_body,
        grid=(NP // BLK,),
        in_specs=[pl.BlockSpec((BLK, DP), lambda i: (i, 0)),
                  pl.BlockSpec((BLK, DP), lambda i: (i, 0)),
                  pl.BlockSpec((BLK, 1), lambda i: (i, 0)),
                  pl.BlockSpec((1, DP), lambda i: (0, 0)),
                  pl.BlockSpec((DP, 1), lambda i: (0, 0))],
        out_specs=[pl.BlockSpec((BLK, 1), lambda i: (i, 0)),
                   pl.BlockSpec((BLK, 1), lambda i: (i, 0))],
        out_shape=[jax.ShapeDtypeStruct((NP, 1), f32),
                   jax.ShapeDtypeStruct((NP, 1), f32)],
    )(msg1, h, dinv, b1p, w2p)


def _fin_body(msg_ref, z_ref, dinv_ref, b2_ref, o_ref):
    dinv = dinv_ref[...]
    s = _colsum(msg_ref[...])
    o_ref[...] = dinv * s + (dinv * dinv) * z_ref[...] + b2_ref[...]


def _tc_fin(msg2, z, dinv, b2r):
    return pl.pallas_call(
        _fin_body,
        grid=(NP // BLK,),
        in_specs=[pl.BlockSpec((NS, BLK), lambda i: (0, i)),
                  pl.BlockSpec((BLK, 1), lambda i: (i, 0)),
                  pl.BlockSpec((BLK, 1), lambda i: (i, 0)),
                  pl.BlockSpec((1, 1), lambda i: (0, 0))],
        out_specs=pl.BlockSpec((BLK, 1), lambda i: (i, 0)),
        out_shape=jax.ShapeDtypeStruct((NP, 1), f32),
    )(msg2, z, dinv, b2r)



def _sc_mesh():
    return plsc.VectorSubcoreMesh(core_axis_name="c", subcore_axis_name="s",
                                  num_cores=1)


def _scalar_chunks(acc, didx_all, kk, vs, dvs):
    ls = [plsc.scan_count(dv)[1] for dv in dvs]
    for dv, v, l in zip(dvs, vs, ls):
        plsc.addupdate_scatter(acc, [dv], v, mask=l)
    rs = [~l for l in ls]
    anyrem = functools.reduce(lambda a, b: a | b, rs)

    @pl.when(jnp.any(anyrem))
    def _():
        def cond(carry):
            return jnp.any(functools.reduce(lambda a, b: a | b, carry))

        def body(carry):
            out = []
            for dv, v, c in zip(dvs, vs, carry):
                _, m = plsc.scan_count(dv, mask=c)
                plsc.addupdate_scatter(acc, [dv], v, mask=m & c)
                out.append(c & ~m)
            return tuple(out)

        lax.while_loop(cond, body, tuple(rs))


@functools.cache
def _make_sc_scalar_msg(use_ones):
    scratch = [
        pltpu.VMEM((NP,), f32),
        pltpu.VMEM((EPW,), i32),
    ]
    if not use_ones:
        scratch = [pltpu.VMEM((NP,), f32)] + scratch + \
                  [pltpu.VMEM((EPW,), i32)]

    @functools.partial(
        pl.kernel,
        out_type=jax.ShapeDtypeStruct((NS, NP), f32),
        mesh=_sc_mesh(),
        compiler_params=pltpu.CompilerParams(needs_layout_passes=False),
        scratch_types=scratch,
    )
    def k(*args):
        if use_ones:
            didx_hbm, out_hbm, acc, didx_all = args
        else:
            vals_hbm, sidx_hbm, didx_hbm, out_hbm, vals, acc, didx_all, \
                sidx_all = args
        s = lax.axis_index("s")
        zero = jnp.zeros((16,), f32)
        one = jnp.ones((16,), f32)

        if not use_ones:
            pltpu.sync_copy(vals_hbm, vals)
            pltpu.sync_copy(sidx_hbm.at[pl.ds(s * EPW, EPW)], sidx_all)
        pltpu.sync_copy(didx_hbm.at[pl.ds(s * EPW, EPW)], didx_all)

        @pl.loop(0, NP, step=16)
        def _(i):
            acc[pl.ds(i, 16)] = zero

        def group(kk, nch):
            dvs = [didx_all[pl.ds(kk + 16 * t, 16)] for t in range(nch)]
            if use_ones:
                vs = [one] * nch
            else:
                vs = [plsc.load_gather(vals, [sidx_all[pl.ds(kk + 16 * t, 16)]])
                      for t in range(nch)]
            _scalar_chunks(acc, didx_all, kk, vs, dvs)

        @pl.loop(0, EPW - 32, step=64)
        def _(kk):
            group(kk, 4)

        group(EPW - 32, 2)

        pltpu.sync_copy(acc, out_hbm.at[s])

    return k


@functools.cache
def _make_sc_row_msg():

    @functools.partial(
        pl.kernel,
        out_type=jax.ShapeDtypeStruct((NP, DP), f32),
        mesh=_sc_mesh(),
        scratch_types=[
            pltpu.VMEM((LBR, DP), f32),
            pltpu.VMEM((LBR, DP), f32),
            pltpu.VMEM((EPR,), i32),
            pltpu.VMEM((LBR,), i32),
            pltpu.VMEM((LBR,), i32),
            pltpu.VMEM_SHARED((NP, DP), f32),
            pltpu.SemaphoreType.DMA,
            pltpu.SemaphoreType.DMA,
            pltpu.SemaphoreType.DMA,
            pltpu.SemaphoreType.DMA,
        ],
    )
    def k(v_hbm, sidx_hbm, didx_hbm, out_hbm, rows_a, rows_b, sidx_all,
          didx_a, didx_b, acc, sem_a, sem_b, sem_da, sem_db):
        s = lax.axis_index("s")
        zero = jnp.zeros((16,), f32)

        @pl.loop(0, LBR)
        def _(r):
            @pl.loop(0, DP, step=16)
            def _(cc):
                rows_a[r, pl.ds(cc, 16)] = zero

        for i in range(NZF):
            pltpu.sync_copy(rows_a, acc.at[pl.ds(s * RB + i * LBR, LBR)])
        pltpu.sync_copy(rows_a.at[pl.ds(0, RBT)],
                        acc.at[pl.ds(s * RB + NZF * LBR, RBT)])
        plsc.subcore_barrier()

        pltpu.sync_copy(sidx_hbm.at[pl.ds(s * EPR, EPR)], sidx_all)

        def start(j, rows, didx, sg, sd):
            pltpu.async_copy(v_hbm.at[sidx_all.at[pl.ds(j * LBR, LBR)]],
                             rows, sg)
            pltpu.async_copy(didx_hbm.at[pl.ds(s * EPR + j * LBR, LBR)],
                             didx, sd)

        def wait(rows, didx, sg, sd):
            pltpu.make_async_copy(v_hbm.at[sidx_all.at[pl.ds(0, LBR)]],
                                  rows, sg).wait()
            pltpu.make_async_copy(didx_hbm.at[pl.ds(0, LBR)], didx, sd).wait()

        start(0, rows_a, didx_a, sem_a, sem_da)

        @pl.loop(0, NBR - 2, step=2)
        def _(j):
            start(j + 1, rows_b, didx_b, sem_b, sem_db)
            wait(rows_a, didx_a, sem_a, sem_da)
            pltpu.sync_copy(rows_a, acc.at[didx_a], add=True)
            start(j + 2, rows_a, didx_a, sem_a, sem_da)
            wait(rows_b, didx_b, sem_b, sem_db)
            pltpu.sync_copy(rows_b, acc.at[didx_b], add=True)

        wait(rows_a, didx_a, sem_a, sem_da)
        pltpu.sync_copy(rows_a, acc.at[didx_a], add=True)

        plsc.subcore_barrier()
        for i in range(NZF):
            sl = pl.ds(s * RB + i * LBR, LBR)
            pltpu.sync_copy(acc.at[sl], out_hbm.at[sl])
        slt = pl.ds(s * RB + NZF * LBR, RBT)
        pltpu.sync_copy(acc.at[slt], out_hbm.at[slt])

    return k



def kernel(x, edge_index, W1, b1, W2, b2):
    ei = edge_index.astype(i32)
    src = ei[0]
    dst = ei[1]
    src_r = jnp.pad(src.reshape(NS, EPW), ((0, 0), (0, EPR - EPW)),
                    constant_values=PAD).reshape(-1)
    dst_r = jnp.pad(dst.reshape(NS, EPW), ((0, 0), (0, EPR - EPW)),
                    constant_values=PAD).reshape(-1)

    xp = jnp.pad(x, ((0, NP - N), (0, 0)))
    W1p = jnp.pad(W1, ((0, 0), (0, DP - DH)))
    b1p = jnp.pad(b1, (0, DP - DH)).reshape(1, DP)
    W2p = jnp.pad(W2, ((0, DP - DH), (0, 0)))
    b2r = b2.reshape(1, 1)

    degp = _make_sc_scalar_msg(True)(dst)
    h = _tc_matmul(xp, W1p)
    hp, dinv = _tc_prep(degp, h)
    msg1 = _make_sc_row_msg()(hp, src_r, dst_r)
    zp, z = _tc_mid(msg1, h, dinv, b1p, W2p)
    msg2 = _make_sc_scalar_msg(False)(zp.reshape(NP), src, dst)
    out = _tc_fin(msg2, z, dinv, b2r)
    return out[:N]

# --- scband reference (transcript-rebuilt; emitter-appended) ---
"""Pipeline reference for scband-graph-convolution-neural-network-88373247082855 (READ-ONLY COPY).

The authoritative reference and input builder live on the scoring server;
editing this copy changes nothing except your own understanding.
"""

import jax, jax.numpy as jnp
import numpy as np

N_NODES = 10000
N_EDGES = 320000
D_IN = 128
D_HID = 100
D_OUT = 1


def gcn_conv(x, edge_index, W, b, n_nodes):
    # PyG-style GCNConv: add self-loops, symmetric normalization, linear, scatter-add, bias
    src = edge_index[0]
    dst = edge_index[1]
    loop = jnp.arange(n_nodes, dtype=edge_index.dtype)
    src = jnp.concatenate([src, loop])
    dst = jnp.concatenate([dst, loop])
    ones = jnp.ones(src.shape[0], dtype=x.dtype)
    deg = jnp.zeros((n_nodes,), dtype=x.dtype).at[dst].add(ones)
    deg_inv_sqrt = jnp.where(deg > 0, 1.0 / jnp.sqrt(deg), 0.0)
    norm = deg_inv_sqrt[src] * deg_inv_sqrt[dst]
    h = x @ W
    msg = h[src] * norm[:, None]
    out = jnp.zeros((n_nodes, W.shape[1]), dtype=x.dtype).at[dst].add(msg)
    return out + b


def setup_inputs(seed: int = 0) -> dict:
    key = jax.random.key(seed)
    k1, k2, k3, k4, k5, k6 = jax.random.split(key, 6)
    x = jax.random.normal(k1, (N_NODES, D_IN), dtype=jnp.float32)
    edge_index = jax.random.randint(k2, (2, N_EDGES), 0, N_NODES, dtype=jnp.int64)
    W1 = jax.random.normal(k3, (D_IN, D_HID), dtype=jnp.float32) * (1.0 / np.sqrt(D_IN))
    b1 = jnp.zeros((D_HID,), dtype=jnp.float32)
    W2 = jax.random.normal(k4, (D_HID, D_OUT), dtype=jnp.float32) * (1.0 / np.sqrt(D_HID))
    b2 = jnp.zeros((D_OUT,), dtype=jnp.float32)
    return {"x": x, "edge_index": edge_index, "W1": W1, "b1": b1, "W2": W2, "b2": b2}


def reference(x, edge_index, W1, b1, W2, b2):
    h = gcn_conv(x, edge_index, W1, b1, N_NODES)
    h = jax.nn.relu(h)
    out = gcn_conv(h, edge_index, W2, b2, N_NODES)
    return out

if __name__ == "__main__":
    import jax
    _d = setup_inputs()
    print(jax.jit(kernel)(*tuple(_d.values())))

</pallas_src>

<mosaic_0001>
#map = affine_map<(d0, d1) -> (0)>
#map1 = affine_map<(d0, d1) -> (0, 0)>
module attributes {stable_mosaic.version = 14 : i64} {
  func.func @k(%arg0: i32, %arg1: i32, %arg2: memref<320000xi32, #tpu.memory_space<hbm>>, %arg3: memref<16x10240xf32, #tpu.memory_space<hbm>>, %arg4: memref<10240xf32, #tpu.memory_space<vmem>>, %arg5: memref<20000xi32, #tpu.memory_space<vmem>>) attributes {dimension_semantics = [#tpu.dimension_semantics<core_parallel>, #tpu.dimension_semantics<subcore_parallel>], iteration_bounds = array<i64: 1, 16>, scalar_prefetch = 0 : i64, scratch_operands = 2 : i64, tpu.core_type = #tpu.core_type<sc_vector_subcore>, window_params = [{transform_indices = #map}, {transform_indices = #map1}]} {
    %broadcast_in_dim3A = arith.constant 0.000000e+00 : f32
    %broadcast_in_dim3A_0 = vector.broadcast %broadcast_in_dim3A : f32 to vector<16xf32>
    %broadcast_in_dim3A_1 = arith.constant 1.000000e+00 : f32
    %broadcast_in_dim3A_2 = vector.broadcast %broadcast_in_dim3A_1 : f32 to vector<16xf32>
    %mul3A = arith.constant 20000 : i32
    %mul3A_3 = arith.muli %arg1, %mul3A : i32
    "tpu.region"() ({
      %run_scoped3A = tpu.sem_alloc : memref<!tpu.dma_semaphore, #tpu.memory_space<semaphore_mem>>
      %dma_start3A = tpu.memref_slice %arg2[%mul3A_3] : memref<320000xi32, #tpu.memory_space<hbm>> -> memref<20000xi32, #tpu.memory_space<hbm>>
      %dma_start3A_37 = tpu.memref_slice %arg2[%mul3A_3] : memref<320000xi32, #tpu.memory_space<hbm>> -> memref<20000xi32, #tpu.memory_space<hbm>>
      tpu.enqueue_dma source(%dma_start3A_37 : memref<20000xi32, #tpu.memory_space<hbm>>) target(%arg5 : memref<20000xi32, #tpu.memory_space<vmem>>) target_semaphore(%run_scoped3A : memref<!tpu.dma_semaphore, #tpu.memory_space<semaphore_mem>>)
      %dma_wait3A = tpu.memref_slice %arg2[%mul3A_3] : memref<320000xi32, #tpu.memory_space<hbm>> -> memref<20000xi32, #tpu.memory_space<hbm>>
      %dma_wait3A_38 = tpu.memref_slice %arg2[%mul3A_3] : memref<320000xi32, #tpu.memory_space<hbm>> -> memref<20000xi32, #tpu.memory_space<hbm>>
      tpu.wait_dma2 semaphore(%run_scoped3A : memref<!tpu.dma_semaphore, #tpu.memory_space<semaphore_mem>>) src(%dma_wait3A_38 : memref<20000xi32, #tpu.memory_space<hbm>>) dst(%arg5 : memref<20000xi32, #tpu.memory_space<vmem>>)
      tpu.yield
    }) : () -> ()
    %scan3A = arith.constant 0 : i32
    %scan3A_4 = arith.constant 640 : i32
    %scan3A_5 = arith.addi %scan3A, %scan3A_4 : i32
    %scan3A_6 = arith.constant 1 : i32
    scf.for %scan3A_37 = %scan3A to %scan3A_5 step %scan3A_6  : i32 {
      %mul3A_38 = arith.constant 16 : i32
      %mul3A_39 = arith.muli %scan3A_37, %mul3A_38 : i32
      %add3A = arith.constant 0 : i32
      %add3A_40 = arith.addi %add3A, %mul3A_39 : i32
      %swap3A = arith.index_cast %add3A_40 : i32 to index
      %swap3A_41 = tpu.vector_load %arg4[%swap3A] {strides = array<i32>} : memref<10240xf32, #tpu.memory_space<vmem>>, vector<16xf32>,
      tpu.vector_store %arg4[%swap3A], %broadcast_in_dim3A_0 {strides = array<i32>} : memref<10240xf32, #tpu.memory_space<vmem>>, vector<16xf32>,
    }
    %scan3A_7 = arith.constant 640 : i32
    %scan3A_8 = arith.constant 0 : i32
    %scan3A_9 = arith.constant 312 : i32
    %scan3A_10 = arith.addi %scan3A_8, %scan3A_9 : i32
    %scan3A_11 = arith.constant 1 : i32
    scf.for %scan3A_37 = %scan3A_8 to %scan3A_10 step %scan3A_11  : i32 {
      %mul3A_38 = arith.constant 64 : i32
      %mul3A_39 = arith.muli %scan3A_37, %mul3A_38 : i32
      %add3A = arith.constant 0 : i32
      %add3A_40 = arith.addi %add3A, %mul3A_39 : i32
      %add3A_41 = arith.constant 0 : i32
      %add3A_42 = arith.addi %add3A_40, %add3A_41 : i32
      %get3A_43 = arith.index_cast %add3A_42 : i32 to index
      %get3A_44 = tpu.vector_load %arg5[%get3A_43] {strides = array<i32>} : memref<20000xi32, #tpu.memory_space<vmem>>, vector<16xi32>,
      %add3A_45 = arith.constant 16 : i32
      %add3A_46 = arith.addi %add3A_40, %add3A_45 : i32
      %get3A_47 = arith.index_cast %add3A_46 : i32 to index
      %get3A_48 = tpu.vector_load %arg5[%get3A_47] {strides = array<i32>} : memref<20000xi32, #tpu.memory_space<vmem>>, vector<16xi32>,
      %add3A_49 = arith.constant 32 : i32
      %add3A_50 = arith.addi %add3A_40, %add3A_49 : i32
      %get3A_51 = arith.index_cast %add3A_50 : i32 to index
      %get3A_52 = tpu.vector_load %arg5[%get3A_51] {strides = array<i32>} : memref<20000xi32, #tpu.memory_space<vmem>>, vector<16xi32>,
      %add3A_53 = arith.constant 48 : i32
      %add3A_54 = arith.addi %add3A_40, %add3A_53 : i32
      %get3A_55 = arith.index_cast %add3A_54 : i32 to index
      %get3A_56 = tpu.vector_load %arg5[%get3A_55] {strides = array<i32>} : memref<20000xi32, #tpu.memory_space<vmem>>, vector<16xi32>,
      %broadcast_in_dim3A_57 = arith.constant true
      %broadcast_in_dim3A_58 = vector.broadcast %broadcast_in_dim3A_57 : i1 to vector<16xi1>
      %unique3A_59, %unique3A_60 = tpu.scan_count mask(%broadcast_in_dim3A_58 : vector<16xi1>) value(%get3A_44 : vector<16xi32>) : vector<16xi1>, vector<16xi32>
      %broadcast_in_dim3A_61 = arith.constant true
      %broadcast_in_dim3A_62 = vector.broadcast %broadcast_in_dim3A_61 : i1 to vector<16xi1>
      %unique3A_63, %unique3A_64 = tpu.scan_count mask(%broadcast_in_dim3A_62 : vector<16xi1>) value(%get3A_48 : vector<16xi32>) : vector<16xi1>, vector<16xi32>
      %broadcast_in_dim3A_65 = arith.constant true
      %broadcast_in_dim3A_66 = vector.broadcast %broadcast_in_dim3A_65 : i1 to vector<16xi1>
      %unique3A_67, %unique3A_68 = tpu.scan_count mask(%broadcast_in_dim3A_66 : vector<16xi1>) value(%get3A_52 : vector<16xi32>) : vector<16xi1>, vector<16xi32>
      %broadcast_in_dim3A_69 = arith.constant true
      %broadcast_in_dim3A_70 = vector.broadcast %broadcast_in_dim3A_69 : i1 to vector<16xi1>
      %unique3A_71, %unique3A_72 = tpu.scan_count mask(%broadcast_in_dim3A_70 : vector<16xi1>) value(%get3A_56 : vector<16xi32>) : vector<16xi1>, vector<16xi32>
      tpu.vector_store_idx %arg4[%get3A_44], %broadcast_in_dim3A_2 masked %unique3A_59 {add = true} : memref<10240xf32, #tpu.memory_space<vmem>>[vector<16xi32>], vector<16xf32>, vector<16xi1>
      tpu.vector_store_idx %arg4[%get3A_48], %broadcast_in_dim3A_2 masked %unique3A_63 {add = true} : memref<10240xf32, #tpu.memory_space<vmem>>[vector<16xi32>], vector<16xf32>, vector<16xi1>
      tpu.vector_store_idx %arg4[%get3A_52], %broadcast_in_dim3A_2 masked %unique3A_67 {add = true} : memref<10240xf32, #tpu.memory_space<vmem>>[vector<16xi32>], vector<16xf32>, vector<16xi1>
      tpu.vector_store_idx %arg4[%get3A_56], %broadcast_in_dim3A_2 masked %unique3A_71 {add = true} : memref<10240xf32, #tpu.memory_space<vmem>>[vector<16xi32>], vector<16xf32>, vector<16xi1>
      %not3A_73 = arith.constant dense<true> : vector<16xi1>
      %not3A_74 = arith.xori %unique3A_59, %not3A_73 : vector<16xi1>
      %not3A_75 = arith.constant dense<true> : vector<16xi1>
      %not3A_76 = arith.xori %unique3A_63, %not3A_75 : vector<16xi1>
      %not3A_77 = arith.constant dense<true> : vector<16xi1>
      %not3A_78 = arith.xori %unique3A_67, %not3A_77 : vector<16xi1>
      %not3A_79 = arith.constant dense<true> : vector<16xi1>
      %not3A_80 = arith.xori %unique3A_71, %not3A_79 : vector<16xi1>
      %or3A_81 = arith.ori %not3A_74, %not3A_76 : vector<16xi1>
      %or3A_82 = arith.ori %or3A_81, %not3A_78 : vector<16xi1>
      %or3A_83 = arith.ori %or3A_82, %not3A_80 : vector<16xi1>
      %reduce_or3A_84 = arith.constant 1.000000e+00 : f32
      %reduce_or3A_85 = arith.constant 0.000000e+00 : f32
      %reduce_or3A_86 = vector.broadcast %reduce_or3A_84 : f32 to vector<16xf32>
      %reduce_or3A_87 = vector.broadcast %reduce_or3A_85 : f32 to vector<16xf32>
      %reduce_or3A_88 = arith.select %or3A_83, %reduce_or3A_86, %reduce_or3A_87 : vector<16xi1>, vector<16xf32>
      %reduce_or3A_89 = arith.constant true
      %reduce_or3A_90 = vector.broadcast %reduce_or3A_89 : i1 to vector<16xi1>
      %reduce_or3A_91 = tpu.scan <max>, %reduce_or3A_88 masked %reduce_or3A_90 : vector<16xf32>, vector<16xi1> -> vector<16xf32>
      %reduce_or3A_92 = vector.extract %reduce_or3A_91[15] : f32 from vector<16xf32>
      %reduce_or3A_93 = arith.constant 0.000000e+00 : f32
      %reduce_or3A_94 = arith.cmpf ogt, %reduce_or3A_92, %reduce_or3A_93 : f32
      %convert_element_type3A_95 = arith.extui %reduce_or3A_94 : i1 to i32
      %cond3A_96 = arith.constant 0 : i32
      %cond3A_97 = arith.cmpi ne, %convert_element_type3A_95, %cond3A_96 : i32
      scf.if %cond3A_97 {
        %while3A:4 = scf.while (%while3A_98 = %not3A_74, %while3A_99 = %not3A_76, %while3A_100 = %not3A_78, %while3A_101 = %not3A_80) : (vector<16xi1>, vector<16xi1>, vector<16xi1>, vector<16xi1>) -> (vector<16xi1>, vector<16xi1>, vector<16xi1>, vector<16xi1>) {
          %or3A_102 = arith.ori %while3A_98, %while3A_99 : vector<16xi1>
          %or3A_103 = arith.ori %or3A_102, %while3A_100 : vector<16xi1>
          %or3A_104 = arith.ori %or3A_103, %while3A_101 : vector<16xi1>
          %reduce_or3A_105 = arith.constant 1.000000e+00 : f32
          %reduce_or3A_106 = arith.constant 0.000000e+00 : f32
          %reduce_or3A_107 = vector.broadcast %reduce_or3A_105 : f32 to vector<16xf32>
          %reduce_or3A_108 = vector.broadcast %reduce_or3A_106 : f32 to vector<16xf32>
          %reduce_or3A_109 = arith.select %or3A_104, %reduce_or3A_107, %reduce_or3A_108 : vector<16xi1>, vector<16xf32>
          %reduce_or3A_110 = arith.constant true
          %reduce_or3A_111 = vector.broadcast %reduce_or3A_110 : i1 to vector<16xi1>
          %reduce_or3A_112 = tpu.scan <max>, %reduce_or3A_109 masked %reduce_or3A_111 : vector<16xf32>, vector<16xi1> -> vector<16xf32>
          %reduce_or3A_113 = vector.extract %reduce_or3A_112[15] : f32 from vector<16xf32>
          %reduce_or3A_114 = arith.constant 0.000000e+00 : f32
          %reduce_or3A_115 = arith.cmpf ogt, %reduce_or3A_113, %reduce_or3A_114 : f32
          scf.condition(%reduce_or3A_115) %while3A_98, %while3A_99, %while3A_100, %while3A_101 : vector<16xi1>, vector<16xi1>, vector<16xi1>, vector<16xi1>
        } do {
        ^bb0(%while3A_98: vector<16xi1>, %while3A_99: vector<16xi1>, %while3A_100: vector<16xi1>, %while3A_101: vector<16xi1>):
          %unique3A_102, %unique3A_103 = tpu.scan_count mask(%while3A_98 : vector<16xi1>) value(%get3A_44 : vector<16xi32>) : vector<16xi1>, vector<16xi32>
          %and3A = arith.andi %unique3A_102, %while3A_98 : vector<16xi1>
          tpu.vector_store_idx %arg4[%get3A_44], %broadcast_in_dim3A_2 masked %and3A {add = true} : memref<10240xf32, #tpu.memory_space<vmem>>[vector<16xi32>], vector<16xf32>, vector<16xi1>
          %not3A_104 = arith.constant dense<true> : vector<16xi1>
          %not3A_105 = arith.xori %unique3A_102, %not3A_104 : vector<16xi1>
          %and3A_106 = arith.andi %while3A_98, %not3A_105 : vector<16xi1>
          %unique3A_107, %unique3A_108 = tpu.scan_count mask(%while3A_99 : vector<16xi1>) value(%get3A_48 : vector<16xi32>) : vector<16xi1>, vector<16xi32>
          %and3A_109 = arith.andi %unique3A_107, %while3A_99 : vector<16xi1>
          tpu.vector_store_idx %arg4[%get3A_48], %broadcast_in_dim3A_2 masked %and3A_109 {add = true} : memref<10240xf32, #tpu.memory_space<vmem>>[vector<16xi32>], vector<16xf32>, vector<16xi1>
          %not3A_110 = arith.constant dense<true> : vector<16xi1>
          %not3A_111 = arith.xori %unique3A_107, %not3A_110 : vector<16xi1>
          %and3A_112 = arith.andi %while3A_99, %not3A_111 : vector<16xi1>
          %unique3A_113, %unique3A_114 = tpu.scan_count mask(%while3A_100 : vector<16xi1>) value(%get3A_52 : vector<16xi32>) : vector<16xi1>, vector<16xi32>
          %and3A_115 = arith.andi %unique3A_113, %while3A_100 : vector<16xi1>
          tpu.vector_store_idx %arg4[%get3A_52], %broadcast_in_dim3A_2 masked %and3A_115 {add = true} : memref<10240xf32, #tpu.memory_space<vmem>>[vector<16xi32>], vector<16xf32>, vector<16xi1>
          %not3A_116 = arith.constant dense<true> : vector<16xi1>
          %not3A_117 = arith.xori %unique3A_113, %not3A_116 : vector<16xi1>
          %and3A_118 = arith.andi %while3A_100, %not3A_117 : vector<16xi1>
          %unique3A_119, %unique3A_120 = tpu.scan_count mask(%while3A_101 : vector<16xi1>) value(%get3A_56 : vector<16xi32>) : vector<16xi1>, vector<16xi32>
          %and3A_121 = arith.andi %unique3A_119, %while3A_101 : vector<16xi1>
          tpu.vector_store_idx %arg4[%get3A_56], %broadcast_in_dim3A_2 masked %and3A_121 {add = true} : memref<10240xf32, #tpu.memory_space<vmem>>[vector<16xi32>], vector<16xf32>, vector<16xi1>
          %not3A_122 = arith.constant dense<true> : vector<16xi1>
          %not3A_123 = arith.xori %unique3A_119, %not3A_122 : vector<16xi1>
          %and3A_124 = arith.andi %while3A_101, %not3A_123 : vector<16xi1>
          scf.yield %and3A_106, %and3A_112, %and3A_118, %and3A_124 : vector<16xi1>, vector<16xi1>, vector<16xi1>, vector<16xi1>
        }
      } else {
      }
    }
    %scan3A_12 = arith.constant 312 : i32
    %get3A = arith.constant 19968 : index
    %get3A_13 = tpu.vector_load %arg5[%get3A] {strides = array<i32>} : memref<20000xi32, #tpu.memory_space<vmem>>, vector<16xi32>,
    %get3A_14 = arith.constant 19984 : index
    %get3A_15 = tpu.vector_load %arg5[%get3A_14] {strides = array<i32>} : memref<20000xi32, #tpu.memory_space<vmem>>, vector<16xi32>,
    %broadcast_in_dim3A_16 = arith.constant true
    %broadcast_in_dim3A_17 = vector.broadcast %broadcast_in_dim3A_16 : i1 to vector<16xi1>
    %unique3A, %unique3A_18 = tpu.scan_count mask(%broadcast_in_dim3A_17 : vector<16xi1>) value(%get3A_13 : vector<16xi32>) : vector<16xi1>, vector<16xi32>
    %broadcast_in_dim3A_19 = arith.constant true
    %broadcast_in_dim3A_20 = vector.broadcast %broadcast_in_dim3A_19 : i1 to vector<16xi1>
    %unique3A_21, %unique3A_22 = tpu.scan_count mask(%broadcast_in_dim3A_20 : vector<16xi1>) value(%get3A_15 : vector<16xi32>) : vector<16xi1>, vector<16xi32>
    tpu.vector_store_idx %arg4[%get3A_13], %broadcast_in_dim3A_2 masked %unique3A {add = true} : memref<10240xf32, #tpu.memory_space<vmem>>[vector<16xi32>], vector<16xf32>, vector<16xi1>
    tpu.vector_store_idx %arg4[%get3A_15], %broadcast_in_dim3A_2 masked %unique3A_21 {add = true} : memref<10240xf32, #tpu.memory_space<vmem>>[vector<16xi32>], vector<16xf32>, vector<16xi1>
    %not3A = arith.constant dense<true> : vector<16xi1>
    %not3A_23 = arith.xori %unique3A, %not3A : vector<16xi1>
    %not3A_24 = arith.constant dense<true> : vector<16xi1>
    %not3A_25 = arith.xori %unique3A_21, %not3A_24 : vector<16xi1>
    %or3A = arith.ori %not3A_23, %not3A_25 : vector<16xi1>
    %reduce_or3A = arith.constant 1.000000e+00 : f32
    %reduce_or3A_26 = arith.constant 0.000000e+00 : f32
    %reduce_or3A_27 = vector.broadcast %reduce_or3A : f32 to vector<16xf32>
    %reduce_or3A_28 = vector.broadcast %reduce_or3A_26 : f32 to vector<16xf32>
    %reduce_or3A_29 = arith.select %or3A, %reduce_or3A_27, %reduce_or3A_28 : vector<16xi1>, vector<16xf32>
    %reduce_or3A_30 = arith.constant true
    %reduce_or3A_31 = vector.broadcast %reduce_or3A_30 : i1 to vector<16xi1>
    %reduce_or3A_32 = tpu.scan <max>, %reduce_or3A_29 masked %reduce_or3A_31 : vector<16xf32>, vector<16xi1> -> vector<16xf32>
    %reduce_or3A_33 = vector.extract %reduce_or3A_32[15] : f32 from vector<16xf32>
    %reduce_or3A_34 = arith.constant 0.000000e+00 : f32
    %reduce_or3A_35 = arith.cmpf ogt, %reduce_or3A_33, %reduce_or3A_34 : f32
    %convert_element_type3A = arith.extui %reduce_or3A_35 : i1 to i32
    %cond3A = arith.constant 0 : i32
    %cond3A_36 = arith.cmpi ne, %convert_element_type3A, %cond3A : i32
    scf.if %cond3A_36 {
      %while3A:2 = scf.while (%while3A_37 = %not3A_23, %while3A_38 = %not3A_25) : (vector<16xi1>, vector<16xi1>) -> (vector<16xi1>, vector<16xi1>) {
        %or3A_39 = arith.ori %while3A_37, %while3A_38 : vector<16xi1>
        %reduce_or3A_40 = arith.constant 1.000000e+00 : f32
        %reduce_or3A_41 = arith.constant 0.000000e+00 : f32
        %reduce_or3A_42 = vector.broadcast %reduce_or3A_40 : f32 to vector<16xf32>
        %reduce_or3A_43 = vector.broadcast %reduce_or3A_41 : f32 to vector<16xf32>
        %reduce_or3A_44 = arith.select %or3A_39, %reduce_or3A_42, %reduce_or3A_43 : vector<16xi1>, vector<16xf32>
        %reduce_or3A_45 = arith.constant true
        %reduce_or3A_46 = vector.broadcast %reduce_or3A_45 : i1 to vector<16xi1>
        %reduce_or3A_47 = tpu.scan <max>, %reduce_or3A_44 masked %reduce_or3A_46 : vector<16xf32>, vector<16xi1> -> vector<16xf32>
        %reduce_or3A_48 = vector.extract %reduce_or3A_47[15] : f32 from vector<16xf32>
        %reduce_or3A_49 = arith.constant 0.000000e+00 : f32
        %reduce_or3A_50 = arith.cmpf ogt, %reduce_or3A_48, %reduce_or3A_49 : f32
        scf.condition(%reduce_or3A_50) %while3A_37, %while3A_38 : vector<16xi1>, vector<16xi1>
      } do {
      ^bb0(%while3A_37: vector<16xi1>, %while3A_38: vector<16xi1>):
        %unique3A_39, %unique3A_40 = tpu.scan_count mask(%while3A_37 : vector<16xi1>) value(%get3A_13 : vector<16xi32>) : vector<16xi1>, vector<16xi32>
        %and3A = arith.andi %unique3A_39, %while3A_37 : vector<16xi1>
        tpu.vector_store_idx %arg4[%get3A_13], %broadcast_in_dim3A_2 masked %and3A {add = true} : memref<10240xf32, #tpu.memory_space<vmem>>[vector<16xi32>], vector<16xf32>, vector<16xi1>
        %not3A_41 = arith.constant dense<true> : vector<16xi1>
        %not3A_42 = arith.xori %unique3A_39, %not3A_41 : vector<16xi1>
        %and3A_43 = arith.andi %while3A_37, %not3A_42 : vector<16xi1>
        %unique3A_44, %unique3A_45 = tpu.scan_count mask(%while3A_38 : vector<16xi1>) value(%get3A_15 : vector<16xi32>) : vector<16xi1>, vector<16xi32>
        %and3A_46 = arith.andi %unique3A_44, %while3A_38 : vector<16xi1>
        tpu.vector_store_idx %arg4[%get3A_15], %broadcast_in_dim3A_2 masked %and3A_46 {add = true} : memref<10240xf32, #tpu.memory_space<vmem>>[vector<16xi32>], vector<16xf32>, vector<16xi1>
        %not3A_47 = arith.constant dense<true> : vector<16xi1>
        %not3A_48 = arith.xori %unique3A_44, %not3A_47 : vector<16xi1>
        %and3A_49 = arith.andi %while3A_38, %not3A_48 : vector<16xi1>
        scf.yield %and3A_43, %and3A_49 : vector<16xi1>, vector<16xi1>
      }
    } else {
    }
    "tpu.region"() ({
      %run_scoped3A = tpu.sem_alloc : memref<!tpu.dma_semaphore, #tpu.memory_space<semaphore_mem>>
      %dma_start3A = arith.constant 0 : i32
      %dma_start3A_37 = tpu.memref_slice %arg3[%arg1, %dma_start3A] : memref<16x10240xf32, #tpu.memory_space<hbm>> -> memref<1x10240xf32, #tpu.memory_space<hbm>>
      %dma_start3A_38 = tpu.memref_squeeze %dma_start3A_37 : memref<1x10240xf32, #tpu.memory_space<hbm>> -> memref<10240xf32, #tpu.memory_space<hbm>>
      %dma_start3A_39 = arith.constant 0 : i32
      %dma_start3A_40 = tpu.memref_slice %arg3[%arg1, %dma_start3A_39] : memref<16x10240xf32, #tpu.memory_space<hbm>> -> memref<1x10240xf32, #tpu.memory_space<hbm>>
      %dma_start3A_41 = tpu.memref_squeeze %dma_start3A_40 : memref<1x10240xf32, #tpu.memory_space<hbm>> -> memref<10240xf32, #tpu.memory_space<hbm>>
      tpu.enqueue_dma source(%arg4 : memref<10240xf32, #tpu.memory_space<vmem>>) target(%dma_start3A_41 : memref<10240xf32, #tpu.memory_space<hbm>>) target_semaphore(%run_scoped3A : memref<!tpu.dma_semaphore, #tpu.memory_space<semaphore_mem>>)
      %dma_wait3A = arith.constant 0 : i32
      %dma_wait3A_42 = tpu.memref_slice %arg3[%arg1, %dma_wait3A] : memref<16x10240xf32, #tpu.memory_space<hbm>> -> memref<1x10240xf32, #tpu.memory_space<hbm>>
      %dma_wait3A_43 = tpu.memref_squeeze %dma_wait3A_42 : memref<1x10240xf32, #tpu.memory_space<hbm>> -> memref<10240xf32, #tpu.memory_space<hbm>>
      %dma_wait3A_44 = arith.constant 0 : i32
      %dma_wait3A_45 = tpu.memref_slice %arg3[%arg1, %dma_wait3A_44] : memref<16x10240xf32, #tpu.memory_space<hbm>> -> memref<1x10240xf32, #tpu.memory_space<hbm>>
      %dma_wait3A_46 = tpu.memref_squeeze %dma_wait3A_45 : memref<1x10240xf32, #tpu.memory_space<hbm>> -> memref<10240xf32, #tpu.memory_space<hbm>>
      tpu.wait_dma2 semaphore(%run_scoped3A : memref<!tpu.dma_semaphore, #tpu.memory_space<semaphore_mem>>) src(%arg4 : memref<10240xf32, #tpu.memory_space<vmem>>) dst(%dma_wait3A_46 : memref<10240xf32, #tpu.memory_space<hbm>>)
      tpu.yield
    }) : () -> ()
    return
  }
}

#map = affine_map<(d0, d1) -> (0)>
#map1 = affine_map<(d0, d1) -> (0, 0)>
module attributes {stable_mosaic.version = 14 : i64} {
  func.func @k(%arg0: i32, %arg1: i32, %arg2: memref<10240xf32, #tpu.memory_space<hbm>>, %arg3: memref<320000xi32, #tpu.memory_space<hbm>>, %arg4: memref<320000xi32, #tpu.memory_space<hbm>>, %arg5: memref<16x10240xf32, #tpu.memory_space<hbm>>, %arg6: memref<10240xf32, #tpu.memory_space<vmem>>, %arg7: memref<10240xf32, #tpu.memory_space<vmem>>, %arg8: memref<20000xi32, #tpu.memory_space<vmem>>, %arg9: memref<20000xi32, #tpu.memory_space<vmem>>) attributes {dimension_semantics = [#tpu.dimension_semantics<core_parallel>, #tpu.dimension_semantics<subcore_parallel>], iteration_bounds = array<i64: 1, 16>, scalar_prefetch = 0 : i64, scratch_operands = 4 : i64, tpu.core_type = #tpu.core_type<sc_vector_subcore>, window_params = [{transform_indices = #map}, {transform_indices = #map}, {transform_indices = #map}, {transform_indices = #map1}]} {
    %broadcast_in_dim3A = arith.constant 0.000000e+00 : f32
    %broadcast_in_dim3A_0 = vector.broadcast %broadcast_in_dim3A : f32 to vector<16xf32>
    %broadcast_in_dim3A_1 = arith.constant 1.000000e+00 : f32
    %broadcast_in_dim3A_2 = vector.broadcast %broadcast_in_dim3A_1 : f32 to vector<16xf32>
    "tpu.region"() ({
      %run_scoped3A = tpu.sem_alloc : memref<!tpu.dma_semaphore, #tpu.memory_space<semaphore_mem>>
      tpu.enqueue_dma source(%arg2 : memref<10240xf32, #tpu.memory_space<hbm>>) target(%arg6 : memref<10240xf32, #tpu.memory_space<vmem>>) target_semaphore(%run_scoped3A : memref<!tpu.dma_semaphore, #tpu.memory_space<semaphore_mem>>)
      tpu.wait_dma2 semaphore(%run_scoped3A : memref<!tpu.dma_semaphore, #tpu.memory_space<semaphore_mem>>) src(%arg2 : memref<10240xf32, #tpu.memory_space<hbm>>) dst(%arg6 : memref<10240xf32, #tpu.memory_space<vmem>>)
      tpu.yield
    }) : () -> ()
    %mul3A = arith.constant 20000 : i32
    %mul3A_3 = arith.muli %arg1, %mul3A : i32
    "tpu.region"() ({
      %run_scoped3A = tpu.sem_alloc : memref<!tpu.dma_semaphore, #tpu.memory_space<semaphore_mem>>
      %dma_start3A = tpu.memref_slice %arg3[%mul3A_3] : memref<320000xi32, #tpu.memory_space<hbm>> -> memref<20000xi32, #tpu.memory_space<hbm>>
      %dma_start3A_44 = tpu.memref_slice %arg3[%mul3A_3] : memref<320000xi32, #tpu.memory_space<hbm>> -> memref<20000xi32, #tpu.memory_space<hbm>>
      tpu.enqueue_dma source(%dma_start3A_44 : memref<20000xi32, #tpu.memory_space<hbm>>) target(%arg9 : memref<20000xi32, #tpu.memory_space<vmem>>) target_semaphore(%run_scoped3A : memref<!tpu.dma_semaphore, #tpu.memory_space<semaphore_mem>>)
      %dma_wait3A = tpu.memref_slice %arg3[%mul3A_3] : memref<320000xi32, #tpu.memory_space<hbm>> -> memref<20000xi32, #tpu.memory_space<hbm>>
      %dma_wait3A_45 = tpu.memref_slice %arg3[%mul3A_3] : memref<320000xi32, #tpu.memory_space<hbm>> -> memref<20000xi32, #tpu.memory_space<hbm>>
      tpu.wait_dma2 semaphore(%run_scoped3A : memref<!tpu.dma_semaphore, #tpu.memory_space<semaphore_mem>>) src(%dma_wait3A_45 : memref<20000xi32, #tpu.memory_space<hbm>>) dst(%arg9 : memref<20000xi32, #tpu.memory_space<vmem>>)
      tpu.yield
    }) : () -> ()
    %mul3A_4 = arith.constant 20000 : i32
    %mul3A_5 = arith.muli %arg1, %mul3A_4 : i32
    "tpu.region"() ({
      %run_scoped3A = tpu.sem_alloc : memref<!tpu.dma_semaphore, #tpu.memory_space<semaphore_mem>>
      %dma_start3A = tpu.memref_slice %arg4[%mul3A_5] : memref<320000xi32, #tpu.memory_space<hbm>> -> memref<20000xi32, #tpu.memory_space<hbm>>
      %dma_start3A_44 = tpu.memref_slice %arg4[%mul3A_5] : memref<320000xi32, #tpu.memory_space<hbm>> -> memref<20000xi32, #tpu.memory_space<hbm>>
      tpu.enqueue_dma source(%dma_start3A_44 : memref<20000xi32, #tpu.memory_space<hbm>>) target(%arg8 : memref<20000xi32, #tpu.memory_space<vmem>>) target_semaphore(%run_scoped3A : memref<!tpu.dma_semaphore, #tpu.memory_space<semaphore_mem>>)
      %dma_wait3A = tpu.memref_slice %arg4[%mul3A_5] : memref<320000xi32, #tpu.memory_space<hbm>> -> memref<20000xi32, #tpu.memory_space<hbm>>
      %dma_wait3A_45 = tpu.memref_slice %arg4[%mul3A_5] : memref<320000xi32, #tpu.memory_space<hbm>> -> memref<20000xi32, #tpu.memory_space<hbm>>
      tpu.wait_dma2 semaphore(%run_scoped3A : memref<!tpu.dma_semaphore, #tpu.memory_space<semaphore_mem>>) src(%dma_wait3A_45 : memref<20000xi32, #tpu.memory_space<hbm>>) dst(%arg8 : memref<20000xi32, #tpu.memory_space<vmem>>)
      tpu.yield
    }) : () -> ()
    %scan3A = arith.constant 0 : i32
    %scan3A_6 = arith.constant 640 : i32
    %scan3A_7 = arith.addi %scan3A, %scan3A_6 : i32
    %scan3A_8 = arith.constant 1 : i32
    scf.for %scan3A_44 = %scan3A to %scan3A_7 step %scan3A_8  : i32 {
      %mul3A_45 = arith.constant 16 : i32
      %mul3A_46 = arith.muli %scan3A_44, %mul3A_45 : i32
      %add3A = arith.constant 0 : i32
      %add3A_47 = arith.addi %add3A, %mul3A_46 : i32
      %swap3A = arith.index_cast %add3A_47 : i32 to index
      %swap3A_48 = tpu.vector_load %arg7[%swap3A] {strides = array<i32>} : memref<10240xf32, #tpu.memory_space<vmem>>, vector<16xf32>,
      tpu.vector_store %arg7[%swap3A], %broadcast_in_dim3A_0 {strides = array<i32>} : memref<10240xf32, #tpu.memory_space<vmem>>, vector<16xf32>,
    }
    %scan3A_9 = arith.constant 640 : i32
    %scan3A_10 = arith.constant 0 : i32
    %scan3A_11 = arith.constant 312 : i32
    %scan3A_12 = arith.addi %scan3A_10, %scan3A_11 : i32
    %scan3A_13 = arith.constant 1 : i32
    scf.for %scan3A_44 = %scan3A_10 to %scan3A_12 step %scan3A_13  : i32 {
      %mul3A_45 = arith.constant 64 : i32
      %mul3A_46 = arith.muli %scan3A_44, %mul3A_45 : i32
      %add3A = arith.constant 0 : i32
      %add3A_47 = arith.addi %add3A, %mul3A_46 : i32
      %add3A_48 = arith.constant 0 : i32
      %add3A_49 = arith.addi %add3A_47, %add3A_48 : i32
      %get3A_50 = arith.index_cast %add3A_49 : i32 to index
      %get3A_51 = tpu.vector_load %arg8[%get3A_50] {strides = array<i32>} : memref<20000xi32, #tpu.memory_space<vmem>>, vector<16xi32>,
      %add3A_52 = arith.constant 16 : i32
      %add3A_53 = arith.addi %add3A_47, %add3A_52 : i32
      %get3A_54 = arith.index_cast %add3A_53 : i32 to index
      %get3A_55 = tpu.vector_load %arg8[%get3A_54] {strides = array<i32>} : memref<20000xi32, #tpu.memory_space<vmem>>, vector<16xi32>,
      %add3A_56 = arith.constant 32 : i32
      %add3A_57 = arith.addi %add3A_47, %add3A_56 : i32
      %get3A_58 = arith.index_cast %add3A_57 : i32 to index
      %get3A_59 = tpu.vector_load %arg8[%get3A_58] {strides = array<i32>} : memref<20000xi32, #tpu.memory_space<vmem>>, vector<16xi32>,
      %add3A_60 = arith.constant 48 : i32
      %add3A_61 = arith.addi %add3A_47, %add3A_60 : i32
      %get3A_62 = arith.index_cast %add3A_61 : i32 to index
      %get3A_63 = tpu.vector_load %arg8[%get3A_62] {strides = array<i32>} : memref<20000xi32, #tpu.memory_space<vmem>>, vector<16xi32>,
      %add3A_64 = arith.constant 0 : i32
      %add3A_65 = arith.addi %add3A_47, %add3A_64 : i32
      %get3A_66 = arith.index_cast %add3A_65 : i32 to index
      %get3A_67 = tpu.vector_load %arg9[%get3A_66] {strides = array<i32>} : memref<20000xi32, #tpu.memory_space<vmem>>, vector<16xi32>,
      %gather3A_68 = tpu.vector_load_idx %arg6[%get3A_67] : memref<10240xf32, #tpu.memory_space<vmem>>[vector<16xi32>], vector<16xf32>,
      %add3A_69 = arith.constant 16 : i32
      %add3A_70 = arith.addi %add3A_47, %add3A_69 : i32
      %get3A_71 = arith.index_cast %add3A_70 : i32 to index
      %get3A_72 = tpu.vector_load %arg9[%get3A_71] {strides = array<i32>} : memref<20000xi32, #tpu.memory_space<vmem>>, vector<16xi32>,
      %gather3A_73 = tpu.vector_load_idx %arg6[%get3A_72] : memref<10240xf32, #tpu.memory_space<vmem>>[vector<16xi32>], vector<16xf32>,
      %add3A_74 = arith.constant 32 : i32
      %add3A_75 = arith.addi %add3A_47, %add3A_74 : i32
      %get3A_76 = arith.index_cast %add3A_75 : i32 to index
      %get3A_77 = tpu.vector_load %arg9[%get3A_76] {strides = array<i32>} : memref<20000xi32, #tpu.memory_space<vmem>>, vector<16xi32>,
      %gather3A_78 = tpu.vector_load_idx %arg6[%get3A_77] : memref<10240xf32, #tpu.memory_space<vmem>>[vector<16xi32>], vector<16xf32>,
      %add3A_79 = arith.constant 48 : i32
      %add3A_80 = arith.addi %add3A_47, %add3A_79 : i32
      %get3A_81 = arith.index_cast %add3A_80 : i32 to index
      %get3A_82 = tpu.vector_load %arg9[%get3A_81] {strides = array<i32>} : memref<20000xi32, #tpu.memory_space<vmem>>, vector<16xi32>,
      %gather3A_83 = tpu.vector_load_idx %arg6[%get3A_82] : memref<10240xf32, #tpu.memory_space<vmem>>[vector<16xi32>], vector<16xf32>,
      %broadcast_in_dim3A_84 = arith.constant true
      %broadcast_in_dim3A_85 = vector.broadcast %broadcast_in_dim3A_84 : i1 to vector<16xi1>
      %unique3A_86, %unique3A_87 = tpu.scan_count mask(%broadcast_in_dim3A_85 : vector<16xi1>) value(%get3A_51 : vector<16xi32>) : vector<16xi1>, vector<16xi32>
      %broadcast_in_dim3A_88 = arith.constant true
      %broadcast_in_dim3A_89 = vector.broadcast %broadcast_in_dim3A_88 : i1 to vector<16xi1>
      %unique3A_90, %unique3A_91 = tpu.scan_count mask(%broadcast_in_dim3A_89 : vector<16xi1>) value(%get3A_55 : vector<16xi32>) : vector<16xi1>, vector<16xi32>
      %broadcast_in_dim3A_92 = arith.constant true
      %broadcast_in_dim3A_93 = vector.broadcast %broadcast_in_dim3A_92 : i1 to vector<16xi1>
      %unique3A_94, %unique3A_95 = tpu.scan_count mask(%broadcast_in_dim3A_93 : vector<16xi1>) value(%get3A_59 : vector<16xi32>) : vector<16xi1>, vector<16xi32>
      %broadcast_in_dim3A_96 = arith.constant true
      %broadcast_in_dim3A_97 = vector.broadcast %broadcast_in_dim3A_96 : i1 to vector<16xi1>
      %unique3A_98, %unique3A_99 = tpu.scan_count mask(%broadcast_in_dim3A_97 : vector<16xi1>) value(%get3A_63 : vector<16xi32>) : vector<16xi1>, vector<16xi32>
      tpu.vector_store_idx %arg7[%get3A_51], %gather3A_68 masked %unique3A_86 {add = true} : memref<10240xf32, #tpu.memory_space<vmem>>[vector<16xi32>], vector<16xf32>, vector<16xi1>
      tpu.vector_store_idx %arg7[%get3A_55], %gather3A_73 masked %unique3A_90 {add = true} : memref<10240xf32, #tpu.memory_space<vmem>>[vector<16xi32>], vector<16xf32>, vector<16xi1>
      tpu.vector_store_idx %arg7[%get3A_59], %gather3A_78 masked %unique3A_94 {add = true} : memref<10240xf32, #tpu.memory_space<vmem>>[vector<16xi32>], vector<16xf32>, vector<16xi1>
      tpu.vector_store_idx %arg7[%get3A_63], %gather3A_83 masked %unique3A_98 {add = true} : memref<10240xf32, #tpu.memory_space<vmem>>[vector<16xi32>], vector<16xf32>, vector<16xi1>
      %not3A_100 = arith.constant dense<true> : vector<16xi1>
      %not3A_101 = arith.xori %unique3A_86, %not3A_100 : vector<16xi1>
      %not3A_102 = arith.constant dense<true> : vector<16xi1>
      %not3A_103 = arith.xori %unique3A_90, %not3A_102 : vector<16xi1>
      %not3A_104 = arith.constant dense<true> : vector<16xi1>
      %not3A_105 = arith.xori %unique3A_94, %not3A_104 : vector<16xi1>
      %not3A_106 = arith.constant dense<true> : vector<16xi1>
      %not3A_107 = arith.xori %unique3A_98, %not3A_106 : vector<16xi1>
      %or3A_108 = arith.ori %not3A_101, %not3A_103 : vector<16xi1>
      %or3A_109 = arith.ori %or3A_108, %not3A_105 : vector<16xi1>
      %or3A_110 = arith.ori %or3A_109, %not3A_107 : vector<16xi1>
      %reduce_or3A_111 = arith.constant 1.000000e+00 : f32
      %reduce_or3A_112 = arith.constant 0.000000e+00 : f32
      %reduce_or3A_113 = vector.broadcast %reduce_or3A_111 : f32 to vector<16xf32>
      %reduce_or3A_114 = vector.broadcast %reduce_or3A_112 : f32 to vector<16xf32>
      %reduce_or3A_115 = arith.select %or3A_110, %reduce_or3A_113, %reduce_or3A_114 : vector<16xi1>, vector<16xf32>
      %reduce_or3A_116 = arith.constant true
      %reduce_or3A_117 = vector.broadcast %reduce_or3A_116 : i1 to vector<16xi1>
      %reduce_or3A_118 = tpu.scan <max>, %reduce_or3A_115 masked %reduce_or3A_117 : vector<16xf32>, vector<16xi1> -> vector<16xf32>
      %reduce_or3A_119 = vector.extract %reduce_or3A_118[15] : f32 from vector<16xf32>
      %reduce_or3A_120 = arith.constant 0.000000e+00 : f32
      %reduce_or3A_121 = arith.cmpf ogt, %reduce_or3A_119, %reduce_or3A_120 : f32
      %convert_element_type3A_122 = arith.extui %reduce_or3A_121 : i1 to i32
      %cond3A_123 = arith.constant 0 : i32
      %cond3A_124 = arith.cmpi ne, %convert_element_type3A_122, %cond3A_123 : i32
      scf.if %cond3A_124 {
        %while3A:4 = scf.while (%while3A_125 = %not3A_101, %while3A_126 = %not3A_103, %while3A_127 = %not3A_105, %while3A_128 = %not3A_107) : (vector<16xi1>, vector<16xi1>, vector<16xi1>, vector<16xi1>) -> (vector<16xi1>, vector<16xi1>, vector<16xi1>, vector<16xi1>) {
          %or3A_129 = arith.ori %while3A_125, %while3A_126 : vector<16xi1>
          %or3A_130 = arith.ori %or3A_129, %while3A_127 : vector<16xi1>
          %or3A_131 = arith.ori %or3A_130, %while3A_128 : vector<16xi1>
          %reduce_or3A_132 = arith.constant 1.000000e+00 : f32
          %reduce_or3A_133 = arith.constant 0.000000e+00 : f32
          %reduce_or3A_134 = vector.broadcast %reduce_or3A_132 : f32 to vector<16xf32>
          %reduce_or3A_135 = vector.broadcast %reduce_or3A_133 : f32 to vector<16xf32>
          %reduce_or3A_136 = arith.select %or3A_131, %reduce_or3A_134, %reduce_or3A_135 : vector<16xi1>, vector<16xf32>
          %reduce_or3A_137 = arith.constant true
          %reduce_or3A_138 = vector.broadcast %reduce_or3A_137 : i1 to vector<16xi1>
          %reduce_or3A_139 = tpu.scan <max>, %reduce_or3A_136 masked %reduce_or3A_138 : vector<16xf32>, vector<16xi1> -> vector<16xf32>
          %reduce_or3A_140 = vector.extract %reduce_or3A_139[15] : f32 from vector<16xf32>
          %reduce_or3A_141 = arith.constant 0.000000e+00 : f32
          %reduce_or3A_142 = arith.cmpf ogt, %reduce_or3A_140, %reduce_or3A_141 : f32
          scf.condition(%reduce_or3A_142) %while3A_125, %while3A_126, %while3A_127, %while3A_128 : vector<16xi1>, vector<16xi1>, vector<16xi1>, vector<16xi1>
        } do {
        ^bb0(%while3A_125: vector<16xi1>, %while3A_126: vector<16xi1>, %while3A_127: vector<16xi1>, %while3A_128: vector<16xi1>):
          %unique3A_129, %unique3A_130 = tpu.scan_count mask(%while3A_125 : vector<16xi1>) value(%get3A_51 : vector<16xi32>) : vector<16xi1>, vector<16xi32>
          %and3A = arith.andi %unique3A_129, %while3A_125 : vector<16xi1>
          tpu.vector_store_idx %arg7[%get3A_51], %gather3A_68 masked %and3A {add = true} : memref<10240xf32, #tpu.memory_space<vmem>>[vector<16xi32>], vector<16xf32>, vector<16xi1>
          %not3A_131 = arith.constant dense<true> : vector<16xi1>
          %not3A_132 = arith.xori %unique3A_129, %not3A_131 : vector<16xi1>
          %and3A_133 = arith.andi %while3A_125, %not3A_132 : vector<16xi1>
          %unique3A_134, %unique3A_135 = tpu.scan_count mask(%while3A_126 : vector<16xi1>) value(%get3A_55 : vector<16xi32>) : vector<16xi1>, vector<16xi32>
          %and3A_136 = arith.andi %unique3A_134, %while3A_126 : vector<16xi1>
          tpu.vector_store_idx %arg7[%get3A_55], %gather3A_73 masked %and3A_136 {add = true} : memref<10240xf32, #tpu.memory_space<vmem>>[vector<16xi32>], vector<16xf32>, vector<16xi1>
          %not3A_137 = arith.constant dense<true> : vector<16xi1>
          %not3A_138 = arith.xori %unique3A_134, %not3A_137 : vector<16xi1>
          %and3A_139 = arith.andi %while3A_126, %not3A_138 : vector<16xi1>
          %unique3A_140, %unique3A_141 = tpu.scan_count mask(%while3A_127 : vector<16xi1>) value(%get3A_59 : vector<16xi32>) : vector<16xi1>, vector<16xi32>
          %and3A_142 = arith.andi %unique3A_140, %while3A_127 : vector<16xi1>
          tpu.vector_store_idx %arg7[%get3A_59], %gather3A_78 masked %and3A_142 {add = true} : memref<10240xf32, #tpu.memory_space<vmem>>[vector<16xi32>], vector<16xf32>, vector<16xi1>
          %not3A_143 = arith.constant dense<true> : vector<16xi1>
          %not3A_144 = arith.xori %unique3A_140, %not3A_143 : vector<16xi1>
          %and3A_145 = arith.andi %while3A_127, %not3A_144 : vector<16xi1>
          %unique3A_146, %unique3A_147 = tpu.scan_count mask(%while3A_128 : vector<16xi1>) value(%get3A_63 : vector<16xi32>) : vector<16xi1>, vector<16xi32>
          %and3A_148 = arith.andi %unique3A_146, %while3A_128 : vector<16xi1>
          tpu.vector_store_idx %arg7[%get3A_63], %gather3A_83 masked %and3A_148 {add = true} : memref<10240xf32, #tpu.memory_space<vmem>>[vector<16xi32>], vector<16xf32>, vector<16xi1>
          %not3A_149 = arith.constant dense<true> : vector<16xi1>
          %not3A_150 = arith.xori %unique3A_146, %not3A_149 : vector<16xi1>
          %and3A_151 = arith.andi %while3A_128, %not3A_150 : vector<16xi1>
          scf.yield %and3A_133, %and3A_139, %and3A_145, %and3A_151 : vector<16xi1>, vector<16xi1>, vector<16xi1>, vector<16xi1>
        }
      } else {
      }
    }
    %scan3A_14 = arith.constant 312 : i32
    %get3A = arith.constant 19968 : index
    %get3A_15 = tpu.vector_load %arg8[%get3A] {strides = array<i32>} : memref<20000xi32, #tpu.memory_space<vmem>>, vector<16xi32>,
    %get3A_16 = arith.constant 19984 : index
    %get3A_17 = tpu.vector_load %arg8[%get3A_16] {strides = array<i32>} : memref<20000xi32, #tpu.memory_space<vmem>>, vector<16xi32>,
    %get3A_18 = arith.constant 19968 : index
    %get3A_19 = tpu.vector_load %arg9[%get3A_18] {strides = array<i32>} : memref<20000xi32, #tpu.memory_space<vmem>>, vector<16xi32>,
    %gather3A = tpu.vector_load_idx %arg6[%get3A_19] : memref<10240xf32, #tpu.memory_space<vmem>>[vector<16xi32>], vector<16xf32>,
    %get3A_20 = arith.constant 19984 : index
    %get3A_21 = tpu.vector_load %arg9[%get3A_20] {strides = array<i32>} : memref<20000xi32, #tpu.memory_space<vmem>>, vector<16xi32>,
    %gather3A_22 = tpu.vector_load_idx %arg6[%get3A_21] : memref<10240xf32, #tpu.memory_space<vmem>>[vector<16xi32>], vector<16xf32>,
    %broadcast_in_dim3A_23 = arith.constant true
    %broadcast_in_dim3A_24 = vector.broadcast %broadcast_in_dim3A_23 : i1 to vector<16xi1>
    %unique3A, %unique3A_25 = tpu.scan_count mask(%broadcast_in_dim3A_24 : vector<16xi1>) value(%get3A_15 : vector<16xi32>) : vector<16xi1>, vector<16xi32>
    %broadcast_in_dim3A_26 = arith.constant true
    %broadcast_in_dim3A_27 = vector.broadcast %broadcast_in_dim3A_26 : i1 to vector<16xi1>
    %unique3A_28, %unique3A_29 = tpu.scan_count mask(%broadcast_in_dim3A_27 : vector<16xi1>) value(%get3A_17 : vector<16xi32>) : vector<16xi1>, vector<16xi32>
    tpu.vector_store_idx %arg7[%get3A_15], %gather3A masked %unique3A {add = true} : memref<10240xf32, #tpu.memory_space<vmem>>[vector<16xi32>], vector<16xf32>, vector<16xi1>
    tpu.vector_store_idx %arg7[%get3A_17], %gather3A_22 masked %unique3A_28 {add = true} : memref<10240xf32, #tpu.memory_space<vmem>>[vector<16xi32>], vector<16xf32>, vector<16xi1>
    %not3A = arith.constant dense<true> : vector<16xi1>
    %not3A_30 = arith.xori %unique3A, %not3A : vector<16xi1>
    %not3A_31 = arith.constant dense<true> : vector<16xi1>
    %not3A_32 = arith.xori %unique3A_28, %not3A_31 : vector<16xi1>
    %or3A = arith.ori %not3A_30, %not3A_32 : vector<16xi1>
    %reduce_or3A = arith.constant 1.000000e+00 : f32
    %reduce_or3A_33 = arith.constant 0.000000e+00 : f32
    %reduce_or3A_34 = vector.broadcast %reduce_or3A : f32 to vector<16xf32>
    %reduce_or3A_35 = vector.broadcast %reduce_or3A_33 : f32 to vector<16xf32>
    %reduce_or3A_36 = arith.select %or3A, %reduce_or3A_34, %reduce_or3A_35 : vector<16xi1>, vector<16xf32>
    %reduce_or3A_37 = arith.constant true
    %reduce_or3A_38 = vector.broadcast %reduce_or3A_37 : i1 to vector<16xi1>
    %reduce_or3A_39 = tpu.scan <max>, %reduce_or3A_36 masked %reduce_or3A_38 : vector<16xf32>, vector<16xi1> -> vector<16xf32>
    %reduce_or3A_40 = vector.extract %reduce_or3A_39[15] : f32 from vector<16xf32>
    %reduce_or3A_41 = arith.constant 0.000000e+00 : f32
    %reduce_or3A_42 = arith.cmpf ogt, %reduce_or3A_40, %reduce_or3A_41 : f32
    %convert_element_type3A = arith.extui %reduce_or3A_42 : i1 to i32
    %cond3A = arith.constant 0 : i32
    %cond3A_43 = arith.cmpi ne, %convert_element_type3A, %cond3A : i32
    scf.if %cond3A_43 {
      %while3A:2 = scf.while (%while3A_44 = %not3A_30, %while3A_45 = %not3A_32) : (vector<16xi1>, vector<16xi1>) -> (vector<16xi1>, vector<16xi1>) {
        %or3A_46 = arith.ori %while3A_44, %while3A_45 : vector<16xi1>
        %reduce_or3A_47 = arith.constant 1.000000e+00 : f32
        %reduce_or3A_48 = arith.constant 0.000000e+00 : f32
        %reduce_or3A_49 = vector.broadcast %reduce_or3A_47 : f32 to vector<16xf32>
        %reduce_or3A_50 = vector.broadcast %reduce_or3A_48 : f32 to vector<16xf32>
        %reduce_or3A_51 = arith.select %or3A_46, %reduce_or3A_49, %reduce_or3A_50 : vector<16xi1>, vector<16xf32>
        %reduce_or3A_52 = arith.constant true
        %reduce_or3A_53 = vector.broadcast %reduce_or3A_52 : i1 to vector<16xi1>
        %reduce_or3A_54 = tpu.scan <max>, %reduce_or3A_51 masked %reduce_or3A_53 : vector<16xf32>, vector<16xi1> -> vector<16xf32>
        %reduce_or3A_55 = vector.extract %reduce_or3A_54[15] : f32 from vector<16xf32>
        %reduce_or3A_56 = arith.constant 0.000000e+00 : f32
        %reduce_or3A_57 = arith.cmpf ogt, %reduce_or3A_55, %reduce_or3A_56 : f32
        scf.condition(%reduce_or3A_57) %while3A_44, %while3A_45 : vector<16xi1>, vector<16xi1>
      } do {
      ^bb0(%while3A_44: vector<16xi1>, %while3A_45: vector<16xi1>):
        %unique3A_46, %unique3A_47 = tpu.scan_count mask(%while3A_44 : vector<16xi1>) value(%get3A_15 : vector<16xi32>) : vector<16xi1>, vector<16xi32>
        %and3A = arith.andi %unique3A_46, %while3A_44 : vector<16xi1>
        tpu.vector_store_idx %arg7[%get3A_15], %gather3A masked %and3A {add = true} : memref<10240xf32, #tpu.memory_space<vmem>>[vector<16xi32>], vector<16xf32>, vector<16xi1>
        %not3A_48 = arith.constant dense<true> : vector<16xi1>
        %not3A_49 = arith.xori %unique3A_46, %not3A_48 : vector<16xi1>
        %and3A_50 = arith.andi %while3A_44, %not3A_49 : vector<16xi1>
        %unique3A_51, %unique3A_52 = tpu.scan_count mask(%while3A_45 : vector<16xi1>) value(%get3A_17 : vector<16xi32>) : vector<16xi1>, vector<16xi32>
        %and3A_53 = arith.andi %unique3A_51, %while3A_45 : vector<16xi1>
        tpu.vector_store_idx %arg7[%get3A_17], %gather3A_22 masked %and3A_53 {add = true} : memref<10240xf32, #tpu.memory_space<vmem>>[vector<16xi32>], vector<16xf32>, vector<16xi1>
        %not3A_54 = arith.constant dense<true> : vector<16xi1>
        %not3A_55 = arith.xori %unique3A_51, %not3A_54 : vector<16xi1>
        %and3A_56 = arith.andi %while3A_45, %not3A_55 : vector<16xi1>
        scf.yield %and3A_50, %and3A_56 : vector<16xi1>, vector<16xi1>
      }
    } else {
    }
    "tpu.region"() ({
      %run_scoped3A = tpu.sem_alloc : memref<!tpu.dma_semaphore, #tpu.memory_space<semaphore_mem>>
      %dma_start3A = arith.constant 0 : i32
      %dma_start3A_44 = tpu.memref_slice %arg5[%arg1, %dma_start3A] : memref<16x10240xf32, #tpu.memory_space<hbm>> -> memref<1x10240xf32, #tpu.memory_space<hbm>>
      %dma_start3A_45 = tpu.memref_squeeze %dma_start3A_44 : memref<1x10240xf32, #tpu.memory_space<hbm>> -> memref<10240xf32, #tpu.memory_space<hbm>>
      %dma_start3A_46 = arith.constant 0 : i32
      %dma_start3A_47 = tpu.memref_slice %arg5[%arg1, %dma_start3A_46] : memref<16x10240xf32, #tpu.memory_space<hbm>> -> memref<1x10240xf32, #tpu.memory_space<hbm>>
      %dma_start3A_48 = tpu.memref_squeeze %dma_start3A_47 : memref<1x10240xf32, #tpu.memory_space<hbm>> -> memref<10240xf32, #tpu.memory_space<hbm>>
      tpu.enqueue_dma source(%arg7 : memref<10240xf32, #tpu.memory_space<vmem>>) target(%dma_start3A_48 : memref<10240xf32, #tpu.memory_space<hbm>>) target_semaphore(%run_scoped3A : memref<!tpu.dma_semaphore, #tpu.memory_space<semaphore_mem>>)
      %dma_wait3A = arith.constant 0 : i32
      %dma_wait3A_49 = tpu.memref_slice %arg5[%arg1, %dma_wait3A] : memref<16x10240xf32, #tpu.memory_space<hbm>> -> memref<1x10240xf32, #tpu.memory_space<hbm>>
      %dma_wait3A_50 = tpu.memref_squeeze %dma_wait3A_49 : memref<1x10240xf32, #tpu.memory_space<hbm>> -> memref<10240xf32, #tpu.memory_space<hbm>>
      %dma_wait3A_51 = arith.constant 0 : i32
      %dma_wait3A_52 = tpu.memref_slice %arg5[%arg1, %dma_wait3A_51] : memref<16x10240xf32, #tpu.memory_space<hbm>> -> memref<1x10240xf32, #tpu.memory_space<hbm>>
      %dma_wait3A_53 = tpu.memref_squeeze %dma_wait3A_52 : memref<1x10240xf32, #tpu.memory_space<hbm>> -> memref<10240xf32, #tpu.memory_space<hbm>>
      tpu.wait_dma2 semaphore(%run_scoped3A : memref<!tpu.dma_semaphore, #tpu.memory_space<semaphore_mem>>) src(%arg7 : memref<10240xf32, #tpu.memory_space<vmem>>) dst(%dma_wait3A_53 : memref<10240xf32, #tpu.memory_space<hbm>>)
      tpu.yield
    }) : () -> ()
    return
  }
}

#map = affine_map<(d0, d1) -> (0, 0)>
#map1 = affine_map<(d0, d1) -> (0)>
module attributes {stable_mosaic.version = 14 : i64} {
  func.func @k(%arg0: i32, %arg1: i32, %arg2: memref<10240x128xf32, #tpu.memory_space<hbm>>, %arg3: memref<321152xi32, #tpu.memory_space<hbm>>, %arg4: memref<321152xi32, #tpu.memory_space<hbm>>, %arg5: memref<10240x128xf32, #tpu.memory_space<hbm>>, %arg6: memref<104x128xf32, #tpu.memory_space<vmem>>, %arg7: memref<104x128xf32, #tpu.memory_space<vmem>>, %arg8: memref<20072xi32, #tpu.memory_space<vmem>>, %arg9: memref<104xi32, #tpu.memory_space<vmem>>, %arg10: memref<104xi32, #tpu.memory_space<vmem>>, %arg11: memref<10240x128xf32, #tpu.memory_space<vmem_shared>>, %arg12: memref<!tpu.dma_semaphore, #tpu.memory_space<semaphore_mem>>, %arg13: memref<!tpu.dma_semaphore, #tpu.memory_space<semaphore_mem>>, %arg14: memref<!tpu.dma_semaphore, #tpu.memory_space<semaphore_mem>>, %arg15: memref<!tpu.dma_semaphore, #tpu.memory_space<semaphore_mem>>) attributes {dimension_semantics = [#tpu.dimension_semantics<core_parallel>, #tpu.dimension_semantics<subcore_parallel>], iteration_bounds = array<i64: 1, 16>, scalar_prefetch = 0 : i64, scratch_operands = 10 : i64, tpu.core_type = #tpu.core_type<sc_vector_subcore>, window_params = [{transform_indices = #map}, {transform_indices = #map1}, {transform_indices = #map1}, {transform_indices = #map}]} {
    %broadcast_in_dim3A = arith.constant 0.000000e+00 : f32
    %broadcast_in_dim3A_0 = vector.broadcast %broadcast_in_dim3A : f32 to vector<16xf32>
    %scan3A = arith.constant 0 : i32
    %scan3A_1 = arith.constant 104 : i32
    %scan3A_2 = arith.addi %scan3A, %scan3A_1 : i32
    %scan3A_3 = arith.constant 1 : i32
    scf.for %scan3A_85 = %scan3A to %scan3A_2 step %scan3A_3  : i32 {
      %mul3A_86 = arith.constant 1 : i32
      %mul3A_87 = arith.muli %scan3A_85, %mul3A_86 : i32
      %add3A_88 = arith.constant 0 : i32
      %add3A_89 = arith.addi %add3A_88, %mul3A_87 : i32
      %scan3A_90 = arith.constant 0 : i32
      %scan3A_91 = arith.constant 8 : i32
      %scan3A_92 = arith.addi %scan3A_90, %scan3A_91 : i32
      %scan3A_93 = arith.constant 1 : i32
      scf.for %scan3A_95 = %scan3A_90 to %scan3A_92 step %scan3A_93  : i32 {
        %mul3A_96 = arith.constant 16 : i32
        %mul3A_97 = arith.muli %scan3A_95, %mul3A_96 : i32
        %add3A_98 = arith.constant 0 : i32
        %add3A_99 = arith.addi %add3A_98, %mul3A_97 : i32
        %swap3A = arith.index_cast %add3A_89 : i32 to index
        %swap3A_100 = arith.index_cast %add3A_99 : i32 to index
        %swap3A_101 = tpu.vector_load %arg6[%swap3A, %swap3A_100] {strides = array<i32>} : memref<104x128xf32, #tpu.memory_space<vmem>>, vector<1x16xf32>,
        %swap3A_102 = vector.shape_cast %swap3A_101 : vector<1x16xf32> to vector<16xf32>
        %swap3A_103 = vector.shape_cast %broadcast_in_dim3A_0 : vector<16xf32> to vector<1x16xf32>
        tpu.vector_store %arg6[%swap3A, %swap3A_100], %swap3A_103 {strides = array<i32>} : memref<104x128xf32, #tpu.memory_space<vmem>>, vector<1x16xf32>,
      }
      %scan3A_94 = arith.constant 8 : i32
    }
    %scan3A_4 = arith.constant 104 : i32
    %mul3A = arith.constant 640 : i32
    %mul3A_5 = arith.muli %arg1, %mul3A : i32
    %add3A = arith.constant 0 : i32
    %add3A_6 = arith.addi %mul3A_5, %add3A : i32
    "tpu.region"() ({
      %run_scoped3A = tpu.sem_alloc : memref<!tpu.dma_semaphore, #tpu.memory_space<semaphore_mem>>
      %dma_start3A_85 = arith.constant 0 : i32
      %dma_start3A_86 = tpu.memref_slice %arg11[%add3A_6, %dma_start3A_85] : memref<10240x128xf32, #tpu.memory_space<vmem_shared>> -> memref<104x128xf32, #tpu.memory_space<vmem_shared>>
      %dma_start3A_87 = arith.constant 0 : i32
      %dma_start3A_88 = tpu.memref_slice %arg11[%add3A_6, %dma_start3A_87] : memref<10240x128xf32, #tpu.memory_space<vmem_shared>> -> memref<104x128xf32, #tpu.memory_space<vmem_shared>>
      tpu.enqueue_dma source(%arg6 : memref<104x128xf32, #tpu.memory_space<vmem>>) target(%dma_start3A_88 : memref<104x128xf32, #tpu.memory_space<vmem_shared>>) target_semaphore(%run_scoped3A : memref<!tpu.dma_semaphore, #tpu.memory_space<semaphore_mem>>)
      %dma_wait3A_89 = arith.constant 0 : i32
      %dma_wait3A_90 = tpu.memref_slice %arg11[%add3A_6, %dma_wait3A_89] : memref<10240x128xf32, #tpu.memory_space<vmem_shared>> -> memref<104x128xf32, #tpu.memory_space<vmem_shared>>
      %dma_wait3A_91 = arith.constant 0 : i32
      %dma_wait3A_92 = tpu.memref_slice %arg11[%add3A_6, %dma_wait3A_91] : memref<10240x128xf32, #tpu.memory_space<vmem_shared>> -> memref<104x128xf32, #tpu.memory_space<vmem_shared>>
      tpu.wait_dma2 semaphore(%run_scoped3A : memref<!tpu.dma_semaphore, #tpu.memory_space<semaphore_mem>>) src(%arg6 : memref<104x128xf32, #tpu.memory_space<vmem>>) dst(%dma_wait3A_92 : memref<104x128xf32, #tpu.memory_space<vmem_shared>>)
      tpu.yield
    }) : () -> ()
    %mul3A_7 = arith.constant 640 : i32
    %mul3A_8 = arith.muli %arg1, %mul3A_7 : i32
    %add3A_9 = arith.constant 104 : i32
    %add3A_10 = arith.addi %mul3A_8, %add3A_9 : i32
    "tpu.region"() ({
      %run_scoped3A = tpu.sem_alloc : memref<!tpu.dma_semaphore, #tpu.memory_space<semaphore_mem>>
      %dma_start3A_85 = arith.constant 0 : i32
      %dma_start3A_86 = tpu.memref_slice %arg11[%add3A_10, %dma_start3A_85] : memref<10240x128xf32, #tpu.memory_space<vmem_shared>> -> memref<104x128xf32, #tpu.memory_space<vmem_shared>>
      %dma_start3A_87 = arith.constant 0 : i32
      %dma_start3A_88 = tpu.memref_slice %arg11[%add3A_10, %dma_start3A_87] : memref<10240x128xf32, #tpu.memory_space<vmem_shared>> -> memref<104x128xf32, #tpu.memory_space<vmem_shared>>
      tpu.enqueue_dma source(%arg6 : memref<104x128xf32, #tpu.memory_space<vmem>>) target(%dma_start3A_88 : memref<104x128xf32, #tpu.memory_space<vmem_shared>>) target_semaphore(%run_scoped3A : memref<!tpu.dma_semaphore, #tpu.memory_space<semaphore_mem>>)
      %dma_wait3A_89 = arith.constant 0 : i32
      %dma_wait3A_90 = tpu.memref_slice %arg11[%add3A_10, %dma_wait3A_89] : memref<10240x128xf32, #tpu.memory_space<vmem_shared>> -> memref<104x128xf32, #tpu.memory_space<vmem_shared>>
      %dma_wait3A_91 = arith.constant 0 : i32
      %dma_wait3A_92 = tpu.memref_slice %arg11[%add3A_10, %dma_wait3A_91] : memref<10240x128xf32, #tpu.memory_space<vmem_shared>> -> memref<104x128xf32, #tpu.memory_space<vmem_shared>>
      tpu.wait_dma2 semaphore(%run_scoped3A : memref<!tpu.dma_semaphore, #tpu.memory_space<semaphore_mem>>) src(%arg6 : memref<104x128xf32, #tpu.memory_space<vmem>>) dst(%dma_wait3A_92 : memref<104x128xf32, #tpu.memory_space<vmem_shared>>)
      tpu.yield
    }) : () -> ()
    %mul3A_11 = arith.constant 640 : i32
    %mul3A_12 = arith.muli %arg1, %mul3A_11 : i32
    %add3A_13 = arith.constant 208 : i32
    %add3A_14 = arith.addi %mul3A_12, %add3A_13 : i32
    "tpu.region"() ({
      %run_scoped3A = tpu.sem_alloc : memref<!tpu.dma_semaphore, #tpu.memory_space<semaphore_mem>>
      %dma_start3A_85 = arith.constant 0 : i32
      %dma_start3A_86 = tpu.memref_slice %arg11[%add3A_14, %dma_start3A_85] : memref<10240x128xf32, #tpu.memory_space<vmem_shared>> -> memref<104x128xf32, #tpu.memory_space<vmem_shared>>
      %dma_start3A_87 = arith.constant 0 : i32
      %dma_start3A_88 = tpu.memref_slice %arg11[%add3A_14, %dma_start3A_87] : memref<10240x128xf32, #tpu.memory_space<vmem_shared>> -> memref<104x128xf32, #tpu.memory_space<vmem_shared>>
      tpu.enqueue_dma source(%arg6 : memref<104x128xf32, #tpu.memory_space<vmem>>) target(%dma_start3A_88 : memref<104x128xf32, #tpu.memory_space<vmem_shared>>) target_semaphore(%run_scoped3A : memref<!tpu.dma_semaphore, #tpu.memory_space<semaphore_mem>>)
      %dma_wait3A_89 = arith.constant 0 : i32
      %dma_wait3A_90 = tpu.memref_slice %arg11[%add3A_14, %dma_wait3A_89] : memref<10240x128xf32, #tpu.memory_space<vmem_shared>> -> memref<104x128xf32, #tpu.memory_space<vmem_shared>>
      %dma_wait3A_91 = arith.constant 0 : i32
      %dma_wait3A_92 = tpu.memref_slice %arg11[%add3A_14, %dma_wait3A_91] : memref<10240x128xf32, #tpu.memory_space<vmem_shared>> -> memref<104x128xf32, #tpu.memory_space<vmem_shared>>
      tpu.wait_dma2 semaphore(%run_scoped3A : memref<!tpu.dma_semaphore, #tpu.memory_space<semaphore_mem>>) src(%arg6 : memref<104x128xf32, #tpu.memory_space<vmem>>) dst(%dma_wait3A_92 : memref<104x128xf32, #tpu.memory_space<vmem_shared>>)
      tpu.yield
    }) : () -> ()
    %mul3A_15 = arith.constant 640 : i32
    %mul3A_16 = arith.muli %arg1, %mul3A_15 : i32
    %add3A_17 = arith.constant 312 : i32
    %add3A_18 = arith.addi %mul3A_16, %add3A_17 : i32
    "tpu.region"() ({
      %run_scoped3A = tpu.sem_alloc : memref<!tpu.dma_semaphore, #tpu.memory_space<semaphore_mem>>
      %dma_start3A_85 = arith.constant 0 : i32
      %dma_start3A_86 = tpu.memref_slice %arg11[%add3A_18, %dma_start3A_85] : memref<10240x128xf32, #tpu.memory_space<vmem_shared>> -> memref<104x128xf32, #tpu.memory_space<vmem_shared>>
      %dma_start3A_87 = arith.constant 0 : i32
      %dma_start3A_88 = tpu.memref_slice %arg11[%add3A_18, %dma_start3A_87] : memref<10240x128xf32, #tpu.memory_space<vmem_shared>> -> memref<104x128xf32, #tpu.memory_space<vmem_shared>>
      tpu.enqueue_dma source(%arg6 : memref<104x128xf32, #tpu.memory_space<vmem>>) target(%dma_start3A_88 : memref<104x128xf32, #tpu.memory_space<vmem_shared>>) target_semaphore(%run_scoped3A : memref<!tpu.dma_semaphore, #tpu.memory_space<semaphore_mem>>)
      %dma_wait3A_89 = arith.constant 0 : i32
      %dma_wait3A_90 = tpu.memref_slice %arg11[%add3A_18, %dma_wait3A_89] : memref<10240x128xf32, #tpu.memory_space<vmem_shared>> -> memref<104x128xf32, #tpu.memory_space<vmem_shared>>
      %dma_wait3A_91 = arith.constant 0 : i32
      %dma_wait3A_92 = tpu.memref_slice %arg11[%add3A_18, %dma_wait3A_91] : memref<10240x128xf32, #tpu.memory_space<vmem_shared>> -> memref<104x128xf32, #tpu.memory_space<vmem_shared>>
      tpu.wait_dma2 semaphore(%run_scoped3A : memref<!tpu.dma_semaphore, #tpu.memory_space<semaphore_mem>>) src(%arg6 : memref<104x128xf32, #tpu.memory_space<vmem>>) dst(%dma_wait3A_92 : memref<104x128xf32, #tpu.memory_space<vmem_shared>>)
      tpu.yield
    }) : () -> ()
    %mul3A_19 = arith.constant 640 : i32
    %mul3A_20 = arith.muli %arg1, %mul3A_19 : i32
    %add3A_21 = arith.constant 416 : i32
    %add3A_22 = arith.addi %mul3A_20, %add3A_21 : i32
    "tpu.region"() ({
      %run_scoped3A = tpu.sem_alloc : memref<!tpu.dma_semaphore, #tpu.memory_space<semaphore_mem>>
      %dma_start3A_85 = arith.constant 0 : i32
      %dma_start3A_86 = tpu.memref_slice %arg11[%add3A_22, %dma_start3A_85] : memref<10240x128xf32, #tpu.memory_space<vmem_shared>> -> memref<104x128xf32, #tpu.memory_space<vmem_shared>>
      %dma_start3A_87 = arith.constant 0 : i32
      %dma_start3A_88 = tpu.memref_slice %arg11[%add3A_22, %dma_start3A_87] : memref<10240x128xf32, #tpu.memory_space<vmem_shared>> -> memref<104x128xf32, #tpu.memory_space<vmem_shared>>
      tpu.enqueue_dma source(%arg6 : memref<104x128xf32, #tpu.memory_space<vmem>>) target(%dma_start3A_88 : memref<104x128xf32, #tpu.memory_space<vmem_shared>>) target_semaphore(%run_scoped3A : memref<!tpu.dma_semaphore, #tpu.memory_space<semaphore_mem>>)
      %dma_wait3A_89 = arith.constant 0 : i32
      %dma_wait3A_90 = tpu.memref_slice %arg11[%add3A_22, %dma_wait3A_89] : memref<10240x128xf32, #tpu.memory_space<vmem_shared>> -> memref<104x128xf32, #tpu.memory_space<vmem_shared>>
      %dma_wait3A_91 = arith.constant 0 : i32
      %dma_wait3A_92 = tpu.memref_slice %arg11[%add3A_22, %dma_wait3A_91] : memref<10240x128xf32, #tpu.memory_space<vmem_shared>> -> memref<104x128xf32, #tpu.memory_space<vmem_shared>>
      tpu.wait_dma2 semaphore(%run_scoped3A : memref<!tpu.dma_semaphore, #tpu.memory_space<semaphore_mem>>) src(%arg6 : memref<104x128xf32, #tpu.memory_space<vmem>>) dst(%dma_wait3A_92 : memref<104x128xf32, #tpu.memory_space<vmem_shared>>)
      tpu.yield
    }) : () -> ()
    %mul3A_23 = arith.constant 640 : i32
    %mul3A_24 = arith.muli %arg1, %mul3A_23 : i32
    %add3A_25 = arith.constant 520 : i32
    %add3A_26 = arith.addi %mul3A_24, %add3A_25 : i32
    "tpu.region"() ({
      %run_scoped3A = tpu.sem_alloc : memref<!tpu.dma_semaphore, #tpu.memory_space<semaphore_mem>>
      %dma_start3A_85 = arith.constant 0 : i32
      %dma_start3A_86 = tpu.memref_slice %arg11[%add3A_26, %dma_start3A_85] : memref<10240x128xf32, #tpu.memory_space<vmem_shared>> -> memref<104x128xf32, #tpu.memory_space<vmem_shared>>
      %dma_start3A_87 = arith.constant 0 : i32
      %dma_start3A_88 = tpu.memref_slice %arg11[%add3A_26, %dma_start3A_87] : memref<10240x128xf32, #tpu.memory_space<vmem_shared>> -> memref<104x128xf32, #tpu.memory_space<vmem_shared>>
      tpu.enqueue_dma source(%arg6 : memref<104x128xf32, #tpu.memory_space<vmem>>) target(%dma_start3A_88 : memref<104x128xf32, #tpu.memory_space<vmem_shared>>) target_semaphore(%run_scoped3A : memref<!tpu.dma_semaphore, #tpu.memory_space<semaphore_mem>>)
      %dma_wait3A_89 = arith.constant 0 : i32
      %dma_wait3A_90 = tpu.memref_slice %arg11[%add3A_26, %dma_wait3A_89] : memref<10240x128xf32, #tpu.memory_space<vmem_shared>> -> memref<104x128xf32, #tpu.memory_space<vmem_shared>>
      %dma_wait3A_91 = arith.constant 0 : i32
      %dma_wait3A_92 = tpu.memref_slice %arg11[%add3A_26, %dma_wait3A_91] : memref<10240x128xf32, #tpu.memory_space<vmem_shared>> -> memref<104x128xf32, #tpu.memory_space<vmem_shared>>
      tpu.wait_dma2 semaphore(%run_scoped3A : memref<!tpu.dma_semaphore, #tpu.memory_space<semaphore_mem>>) src(%arg6 : memref<104x128xf32, #tpu.memory_space<vmem>>) dst(%dma_wait3A_92 : memref<104x128xf32, #tpu.memory_space<vmem_shared>>)
      tpu.yield
    }) : () -> ()
    %mul3A_27 = arith.constant 640 : i32
    %mul3A_28 = arith.muli %arg1, %mul3A_27 : i32
    %add3A_29 = arith.constant 624 : i32
    %add3A_30 = arith.addi %mul3A_28, %add3A_29 : i32
    "tpu.region"() ({
      %run_scoped3A = tpu.sem_alloc : memref<!tpu.dma_semaphore, #tpu.memory_space<semaphore_mem>>
      %dma_start3A_85 = arith.constant 0 : i32
      %dma_start3A_86 = arith.constant 0 : i32
      %dma_start3A_87 = tpu.memref_slice %arg6[%dma_start3A_85, %dma_start3A_86] : memref<104x128xf32, #tpu.memory_space<vmem>> -> memref<16x128xf32, #tpu.memory_space<vmem>>
      %dma_start3A_88 = arith.constant 0 : i32
      %dma_start3A_89 = tpu.memref_slice %arg11[%add3A_30, %dma_start3A_88] : memref<10240x128xf32, #tpu.memory_space<vmem_shared>> -> memref<16x128xf32, #tpu.memory_space<vmem_shared>>
      %dma_start3A_90 = arith.constant 0 : i32
      %dma_start3A_91 = tpu.memref_slice %arg11[%add3A_30, %dma_start3A_90] : memref<10240x128xf32, #tpu.memory_space<vmem_shared>> -> memref<16x128xf32, #tpu.memory_space<vmem_shared>>
      %dma_start3A_92 = arith.constant 0 : i32
      %dma_start3A_93 = arith.constant 0 : i32
      %dma_start3A_94 = tpu.memref_slice %arg6[%dma_start3A_92, %dma_start3A_93] : memref<104x128xf32, #tpu.memory_space<vmem>> -> memref<16x128xf32, #tpu.memory_space<vmem>>
      tpu.enqueue_dma source(%dma_start3A_94 : memref<16x128xf32, #tpu.memory_space<vmem>>) target(%dma_start3A_91 : memref<16x128xf32, #tpu.memory_space<vmem_shared>>) target_semaphore(%run_scoped3A : memref<!tpu.dma_semaphore, #tpu.memory_space<semaphore_mem>>)
      %dma_wait3A_95 = arith.constant 0 : i32
      %dma_wait3A_96 = arith.constant 0 : i32
      %dma_wait3A_97 = tpu.memref_slice %arg6[%dma_wait3A_95, %dma_wait3A_96] : memref<104x128xf32, #tpu.memory_space<vmem>> -> memref<16x128xf32, #tpu.memory_space<vmem>>
      %dma_wait3A_98 = arith.constant 0 : i32
      %dma_wait3A_99 = tpu.memref_slice %arg11[%add3A_30, %dma_wait3A_98] : memref<10240x128xf32, #tpu.memory_space<vmem_shared>> -> memref<16x128xf32, #tpu.memory_space<vmem_shared>>
      %dma_wait3A_100 = arith.constant 0 : i32
      %dma_wait3A_101 = tpu.memref_slice %arg11[%add3A_30, %dma_wait3A_100] : memref<10240x128xf32, #tpu.memory_space<vmem_shared>> -> memref<16x128xf32, #tpu.memory_space<vmem_shared>>
      %dma_wait3A_102 = arith.constant 0 : i32
      %dma_wait3A_103 = arith.constant 0 : i32
      %dma_wait3A_104 = tpu.memref_slice %arg6[%dma_wait3A_102, %dma_wait3A_103] : memref<104x128xf32, #tpu.memory_space<vmem>> -> memref<16x128xf32, #tpu.memory_space<vmem>>
      tpu.wait_dma2 semaphore(%run_scoped3A : memref<!tpu.dma_semaphore, #tpu.memory_space<semaphore_mem>>) src(%dma_wait3A_104 : memref<16x128xf32, #tpu.memory_space<vmem>>) dst(%dma_wait3A_101 : memref<16x128xf32, #tpu.memory_space<vmem_shared>>)
      tpu.yield
    }) : () -> ()
    %barrier3A = arith.constant 0 : index
    tpu.barrier barrier_id(%barrier3A)
    %mul3A_31 = arith.constant 20072 : i32
    %mul3A_32 = arith.muli %arg1, %mul3A_31 : i32
    "tpu.region"() ({
      %run_scoped3A = tpu.sem_alloc : memref<!tpu.dma_semaphore, #tpu.memory_space<semaphore_mem>>
      %dma_start3A_85 = tpu.memref_slice %arg3[%mul3A_32] : memref<321152xi32, #tpu.memory_space<hbm>> -> memref<20072xi32, #tpu.memory_space<hbm>>
      %dma_start3A_86 = tpu.memref_slice %arg3[%mul3A_32] : memref<321152xi32, #tpu.memory_space<hbm>> -> memref<20072xi32, #tpu.memory_space<hbm>>
      tpu.enqueue_dma source(%dma_start3A_86 : memref<20072xi32, #tpu.memory_space<hbm>>) target(%arg8 : memref<20072xi32, #tpu.memory_space<vmem>>) target_semaphore(%run_scoped3A : memref<!tpu.dma_semaphore, #tpu.memory_space<semaphore_mem>>)
      %dma_wait3A_87 = tpu.memref_slice %arg3[%mul3A_32] : memref<321152xi32, #tpu.memory_space<hbm>> -> memref<20072xi32, #tpu.memory_space<hbm>>
      %dma_wait3A_88 = tpu.memref_slice %arg3[%mul3A_32] : memref<321152xi32, #tpu.memory_space<hbm>> -> memref<20072xi32, #tpu.memory_space<hbm>>
      tpu.wait_dma2 semaphore(%run_scoped3A : memref<!tpu.dma_semaphore, #tpu.memory_space<semaphore_mem>>) src(%dma_wait3A_88 : memref<20072xi32, #tpu.memory_space<hbm>>) dst(%arg8 : memref<20072xi32, #tpu.memory_space<vmem>>)
      tpu.yield
    }) : () -> ()
    %dma_start3A = arith.constant 0 : i32
    %dma_start3A_33 = tpu.memref_slice %arg8[%dma_start3A] : memref<20072xi32, #tpu.memory_space<vmem>> -> memref<104xi32, #tpu.memory_space<vmem>>
    %dma_start3A_34 = arith.constant 0 : i32
    %dma_start3A_35 = arith.constant 0 : i32
    %dma_start3A_36 = tpu.memref_slice %arg2[%dma_start3A_34, %dma_start3A_35] : memref<10240x128xf32, #tpu.memory_space<hbm>> -> memref<10240x128xf32, #tpu.memory_space<hbm>>
    tpu.enqueue_indirect_dma source(%dma_start3A_36 : memref<10240x128xf32, #tpu.memory_space<hbm>>) target(%arg6 : memref<104x128xf32, #tpu.memory_space<vmem>>) offsets(%dma_start3A_33 : memref<104xi32, #tpu.memory_space<vmem>>) semaphore(%arg12 : memref<!tpu.dma_semaphore, #tpu.memory_space<semaphore_mem>>)
    %mul3A_37 = arith.constant 20072 : i32
    %mul3A_38 = arith.muli %arg1, %mul3A_37 : i32
    %add3A_39 = arith.constant 0 : i32
    %add3A_40 = arith.addi %mul3A_38, %add3A_39 : i32
    %dma_start3A_41 = tpu.memref_slice %arg4[%add3A_40] : memref<321152xi32, #tpu.memory_space<hbm>> -> memref<104xi32, #tpu.memory_space<hbm>>
    %dma_start3A_42 = tpu.memref_slice %arg4[%add3A_40] : memref<321152xi32, #tpu.memory_space<hbm>> -> memref<104xi32, #tpu.memory_space<hbm>>
    tpu.enqueue_dma source(%dma_start3A_42 : memref<104xi32, #tpu.memory_space<hbm>>) target(%arg9 : memref<104xi32, #tpu.memory_space<vmem>>) target_semaphore(%arg14 : memref<!tpu.dma_semaphore, #tpu.memory_space<semaphore_mem>>)
    %scan3A_43 = arith.constant 0 : i32
    %scan3A_44 = arith.constant 96 : i32
    %scan3A_45 = arith.addi %scan3A_43, %scan3A_44 : i32
    %scan3A_46 = arith.constant 1 : i32
    scf.for %scan3A_85 = %scan3A_43 to %scan3A_45 step %scan3A_46  : i32 {
      %mul3A_86 = arith.constant 2 : i32
      %mul3A_87 = arith.muli %scan3A_85, %mul3A_86 : i32
      %add3A_88 = arith.constant 0 : i32
      %add3A_89 = arith.addi %add3A_88, %mul3A_87 : i32
      %add3A_90 = arith.constant 1 : i32
      %add3A_91 = arith.addi %add3A_89, %add3A_90 : i32
      %mul3A_92 = arith.constant 104 : i32
      %mul3A_93 = arith.muli %add3A_91, %mul3A_92 : i32
      %dma_start3A_94 = tpu.memref_slice %arg8[%mul3A_93] : memref<20072xi32, #tpu.memory_space<vmem>> -> memref<104xi32, #tpu.memory_space<vmem>>
      %dma_start3A_95 = arith.constant 0 : i32
      %dma_start3A_96 = arith.constant 0 : i32
      %dma_start3A_97 = tpu.memref_slice %arg2[%dma_start3A_95, %dma_start3A_96] : memref<10240x128xf32, #tpu.memory_space<hbm>> -> memref<10240x128xf32, #tpu.memory_space<hbm>>
      tpu.enqueue_indirect_dma source(%dma_start3A_97 : memref<10240x128xf32, #tpu.memory_space<hbm>>) target(%arg7 : memref<104x128xf32, #tpu.memory_space<vmem>>) offsets(%dma_start3A_94 : memref<104xi32, #tpu.memory_space<vmem>>) semaphore(%arg13 : memref<!tpu.dma_semaphore, #tpu.memory_space<semaphore_mem>>)
      %mul3A_98 = arith.constant 20072 : i32
      %mul3A_99 = arith.muli %arg1, %mul3A_98 : i32
      %mul3A_100 = arith.constant 104 : i32
      %mul3A_101 = arith.muli %add3A_91, %mul3A_100 : i32
      %add3A_102 = arith.addi %mul3A_99, %mul3A_101 : i32
      %dma_start3A_103 = tpu.memref_slice %arg4[%add3A_102] : memref<321152xi32, #tpu.memory_space<hbm>> -> memref<104xi32, #tpu.memory_space<hbm>>
      %dma_start3A_104 = tpu.memref_slice %arg4[%add3A_102] : memref<321152xi32, #tpu.memory_space<hbm>> -> memref<104xi32, #tpu.memory_space<hbm>>
      tpu.enqueue_dma source(%dma_start3A_104 : memref<104xi32, #tpu.memory_space<hbm>>) target(%arg10 : memref<104xi32, #tpu.memory_space<vmem>>) target_semaphore(%arg15 : memref<!tpu.dma_semaphore, #tpu.memory_space<semaphore_mem>>)
      %dma_wait3A_105 = arith.constant 0 : i32
      %dma_wait3A_106 = tpu.memref_slice %arg8[%dma_wait3A_105] : memref<20072xi32, #tpu.memory_space<vmem>> -> memref<104xi32, #tpu.memory_space<vmem>>
      %dma_wait3A_107 = arith.constant 0 : i32
      %dma_wait3A_108 = arith.constant 0 : i32
      %dma_wait3A_109 = tpu.memref_slice %arg2[%dma_wait3A_107, %dma_wait3A_108] : memref<10240x128xf32, #tpu.memory_space<hbm>> -> memref<10240x128xf32, #tpu.memory_space<hbm>>
      tpu.wait_indirect_dma semaphore(%arg12 : memref<!tpu.dma_semaphore, #tpu.memory_space<semaphore_mem>>) src(%dma_wait3A_109 : memref<10240x128xf32, #tpu.memory_space<hbm>>) dst(%arg6 : memref<104x128xf32, #tpu.memory_space<vmem>>)
      %dma_wait3A_110 = arith.constant 0 : i32
      %dma_wait3A_111 = tpu.memref_slice %arg4[%dma_wait3A_110] : memref<321152xi32, #tpu.memory_space<hbm>> -> memref<104xi32, #tpu.memory_space<hbm>>
      %dma_wait3A_112 = arith.constant 0 : i32
      %dma_wait3A_113 = tpu.memref_slice %arg4[%dma_wait3A_112] : memref<321152xi32, #tpu.memory_space<hbm>> -> memref<104xi32, #tpu.memory_space<hbm>>
      tpu.wait_dma2 semaphore(%arg14 : memref<!tpu.dma_semaphore, #tpu.memory_space<semaphore_mem>>) src(%dma_wait3A_113 : memref<104xi32, #tpu.memory_space<hbm>>) dst(%arg9 : memref<104xi32, #tpu.memory_space<vmem>>)
      "tpu.region"() ({
        %run_scoped3A = tpu.sem_alloc : memref<!tpu.dma_semaphore, #tpu.memory_space<semaphore_mem>>
        %dma_start3A_138 = arith.constant 0 : i32
        %dma_start3A_139 = arith.constant 0 : i32
        %dma_start3A_140 = tpu.memref_slice %arg11[%dma_start3A_138, %dma_start3A_139] : memref<10240x128xf32, #tpu.memory_space<vmem_shared>> -> memref<10240x128xf32, #tpu.memory_space<vmem_shared>>
        tpu.enqueue_indirect_dma source(%arg6 : memref<104x128xf32, #tpu.memory_space<vmem>>) target(%dma_start3A_140 : memref<10240x128xf32, #tpu.memory_space<vmem_shared>>) offsets(%arg9 : memref<104xi32, #tpu.memory_space<vmem>>) semaphore(%run_scoped3A : memref<!tpu.dma_semaphore, #tpu.memory_space<semaphore_mem>>) {add = true}
        %dma_wait3A_141 = arith.constant 0 : i32
        %dma_wait3A_142 = arith.constant 0 : i32
        %dma_wait3A_143 = tpu.memref_slice %arg11[%dma_wait3A_141, %dma_wait3A_142] : memref<10240x128xf32, #tpu.memory_space<vmem_shared>> -> memref<10240x128xf32, #tpu.memory_space<vmem_shared>>
        tpu.wait_indirect_dma semaphore(%run_scoped3A : memref<!tpu.dma_semaphore, #tpu.memory_space<semaphore_mem>>) src(%arg6 : memref<104x128xf32, #tpu.memory_space<vmem>>) dst(%dma_wait3A_143 : memref<10240x128xf32, #tpu.memory_space<vmem_shared>>)
        tpu.yield
      }) : () -> ()
      %add3A_114 = arith.constant 2 : i32
      %add3A_115 = arith.addi %add3A_89, %add3A_114 : i32
      %mul3A_116 = arith.constant 104 : i32
      %mul3A_117 = arith.muli %add3A_115, %mul3A_116 : i32
      %dma_start3A_118 = tpu.memref_slice %arg8[%mul3A_117] : memref<20072xi32, #tpu.memory_space<vmem>> -> memref<104xi32, #tpu.memory_space<vmem>>
      %dma_start3A_119 = arith.constant 0 : i32
      %dma_start3A_120 = arith.constant 0 : i32
      %dma_start3A_121 = tpu.memref_slice %arg2[%dma_start3A_119, %dma_start3A_120] : memref<10240x128xf32, #tpu.memory_space<hbm>> -> memref<10240x128xf32, #tpu.memory_space<hbm>>
      tpu.enqueue_indirect_dma source(%dma_start3A_121 : memref<10240x128xf32, #tpu.memory_space<hbm>>) target(%arg6 : memref<104x128xf32, #tpu.memory_space<vmem>>) offsets(%dma_start3A_118 : memref<104xi32, #tpu.memory_space<vmem>>) semaphore(%arg12 : memref<!tpu.dma_semaphore, #tpu.memory_space<semaphore_mem>>)
      %mul3A_122 = arith.constant 20072 : i32
      %mul3A_123 = arith.muli %arg1, %mul3A_122 : i32
      %mul3A_124 = arith.constant 104 : i32
      %mul3A_125 = arith.muli %add3A_115, %mul3A_124 : i32
      %add3A_126 = arith.addi %mul3A_123, %mul3A_125 : i32
      %dma_start3A_127 = tpu.memref_slice %arg4[%add3A_126] : memref<321152xi32, #tpu.memory_space<hbm>> -> memref<104xi32, #tpu.memory_space<hbm>>
      %dma_start3A_128 = tpu.memref_slice %arg4[%add3A_126] : memref<321152xi32, #tpu.memory_space<hbm>> -> memref<104xi32, #tpu.memory_space<hbm>>
      tpu.enqueue_dma source(%dma_start3A_128 : memref<104xi32, #tpu.memory_space<hbm>>) target(%arg9 : memref<104xi32, #tpu.memory_space<vmem>>) target_semaphore(%arg14 : memref<!tpu.dma_semaphore, #tpu.memory_space<semaphore_mem>>)
      %dma_wait3A_129 = arith.constant 0 : i32
      %dma_wait3A_130 = tpu.memref_slice %arg8[%dma_wait3A_129] : memref<20072xi32, #tpu.memory_space<vmem>> -> memref<104xi32, #tpu.memory_space<vmem>>
      %dma_wait3A_131 = arith.constant 0 : i32
      %dma_wait3A_132 = arith.constant 0 : i32
      %dma_wait3A_133 = tpu.memref_slice %arg2[%dma_wait3A_131, %dma_wait3A_132] : memref<10240x128xf32, #tpu.memory_space<hbm>> -> memref<10240x128xf32, #tpu.memory_space<hbm>>
      tpu.wait_indirect_dma semaphore(%arg13 : memref<!tpu.dma_semaphore, #tpu.memory_space<semaphore_mem>>) src(%dma_wait3A_133 : memref<10240x128xf32, #tpu.memory_space<hbm>>) dst(%arg7 : memref<104x128xf32, #tpu.memory_space<vmem>>)
      %dma_wait3A_134 = arith.constant 0 : i32
      %dma_wait3A_135 = tpu.memref_slice %arg4[%dma_wait3A_134] : memref<321152xi32, #tpu.memory_space<hbm>> -> memref<104xi32, #tpu.memory_space<hbm>>
      %dma_wait3A_136 = arith.constant 0 : i32
      %dma_wait3A_137 = tpu.memref_slice %arg4[%dma_wait3A_136] : memref<321152xi32, #tpu.memory_space<hbm>> -> memref<104xi32, #tpu.memory_space<hbm>>
      tpu.wait_dma2 semaphore(%arg15 : memref<!tpu.dma_semaphore, #tpu.memory_space<semaphore_mem>>) src(%dma_wait3A_137 : memref<104xi32, #tpu.memory_space<hbm>>) dst(%arg10 : memref<104xi32, #tpu.memory_space<vmem>>)
      "tpu.region"() ({
        %run_scoped3A = tpu.sem_alloc : memref<!tpu.dma_semaphore, #tpu.memory_space<semaphore_mem>>
        %dma_start3A_138 = arith.constant 0 : i32
        %dma_start3A_139 = arith.constant 0 : i32
        %dma_start3A_140 = tpu.memref_slice %arg11[%dma_start3A_138, %dma_start3A_139] : memref<10240x128xf32, #tpu.memory_space<vmem_shared>> -> memref<10240x128xf32, #tpu.memory_space<vmem_shared>>
        tpu.enqueue_indirect_dma source(%arg7 : memref<104x128xf32, #tpu.memory_space<vmem>>) target(%dma_start3A_140 : memref<10240x128xf32, #tpu.memory_space<vmem_shared>>) offsets(%arg10 : memref<104xi32, #tpu.memory_space<vmem>>) semaphore(%run_scoped3A : memref<!tpu.dma_semaphore, #tpu.memory_space<semaphore_mem>>) {add = true}
        %dma_wait3A_141 = arith.constant 0 : i32
        %dma_wait3A_142 = arith.constant 0 : i32
        %dma_wait3A_143 = tpu.memref_slice %arg11[%dma_wait3A_141, %dma_wait3A_142] : memref<10240x128xf32, #tpu.memory_space<vmem_shared>> -> memref<10240x128xf32, #tpu.memory_space<vmem_shared>>
        tpu.wait_indirect_dma semaphore(%run_scoped3A : memref<!tpu.dma_semaphore, #tpu.memory_space<semaphore_mem>>) src(%arg7 : memref<104x128xf32, #tpu.memory_space<vmem>>) dst(%dma_wait3A_143 : memref<10240x128xf32, #tpu.memory_space<vmem_shared>>)
        tpu.yield
      }) : () -> ()
    }
    %scan3A_47 = arith.constant 96 : i32
    %dma_wait3A = arith.constant 0 : i32
    %dma_wait3A_48 = tpu.memref_slice %arg8[%dma_wait3A] : memref<20072xi32, #tpu.memory_space<vmem>> -> memref<104xi32, #tpu.memory_space<vmem>>
    %dma_wait3A_49 = arith.constant 0 : i32
    %dma_wait3A_50 = arith.constant 0 : i32
    %dma_wait3A_51 = tpu.memref_slice %arg2[%dma_wait3A_49, %dma_wait3A_50] : memref<10240x128xf32, #tpu.memory_space<hbm>> -> memref<10240x128xf32, #tpu.memory_space<hbm>>
    tpu.wait_indirect_dma semaphore(%arg12 : memref<!tpu.dma_semaphore, #tpu.memory_space<semaphore_mem>>) src(%dma_wait3A_51 : memref<10240x128xf32, #tpu.memory_space<hbm>>) dst(%arg6 : memref<104x128xf32, #tpu.memory_space<vmem>>)
    %dma_wait3A_52 = arith.constant 0 : i32
    %dma_wait3A_53 = tpu.memref_slice %arg4[%dma_wait3A_52] : memref<321152xi32, #tpu.memory_space<hbm>> -> memref<104xi32, #tpu.memory_space<hbm>>
    %dma_wait3A_54 = arith.constant 0 : i32
    %dma_wait3A_55 = tpu.memref_slice %arg4[%dma_wait3A_54] : memref<321152xi32, #tpu.memory_space<hbm>> -> memref<104xi32, #tpu.memory_space<hbm>>
    tpu.wait_dma2 semaphore(%arg14 : memref<!tpu.dma_semaphore, #tpu.memory_space<semaphore_mem>>) src(%dma_wait3A_55 : memref<104xi32, #tpu.memory_space<hbm>>) dst(%arg9 : memref<104xi32, #tpu.memory_space<vmem>>)
    "tpu.region"() ({
      %run_scoped3A = tpu.sem_alloc : memref<!tpu.dma_semaphore, #tpu.memory_space<semaphore_mem>>
      %dma_start3A_85 = arith.constant 0 : i32
      %dma_start3A_86 = arith.constant 0 : i32
      %dma_start3A_87 = tpu.memref_slice %arg11[%dma_start3A_85, %dma_start3A_86] : memref<10240x128xf32, #tpu.memory_space<vmem_shared>> -> memref<10240x128xf32, #tpu.memory_space<vmem_shared>>
      tpu.enqueue_indirect_dma source(%arg6 : memref<104x128xf32, #tpu.memory_space<vmem>>) target(%dma_start3A_87 : memref<10240x128xf32, #tpu.memory_space<vmem_shared>>) offsets(%arg9 : memref<104xi32, #tpu.memory_space<vmem>>) semaphore(%run_scoped3A : memref<!tpu.dma_semaphore, #tpu.memory_space<semaphore_mem>>) {add = true}
      %dma_wait3A_88 = arith.constant 0 : i32
      %dma_wait3A_89 = arith.constant 0 : i32
      %dma_wait3A_90 = tpu.memref_slice %arg11[%dma_wait3A_88, %dma_wait3A_89] : memref<10240x128xf32, #tpu.memory_space<vmem_shared>> -> memref<10240x128xf32, #tpu.memory_space<vmem_shared>>
      tpu.wait_indirect_dma semaphore(%run_scoped3A : memref<!tpu.dma_semaphore, #tpu.memory_space<semaphore_mem>>) src(%arg6 : memref<104x128xf32, #tpu.memory_space<vmem>>) dst(%dma_wait3A_90 : memref<10240x128xf32, #tpu.memory_space<vmem_shared>>)
      tpu.yield
    }) : () -> ()
    %barrier3A_56 = arith.constant 0 : index
    tpu.barrier barrier_id(%barrier3A_56)
    %mul3A_57 = arith.constant 640 : i32
    %mul3A_58 = arith.muli %arg1, %mul3A_57 : i32
    %add3A_59 = arith.constant 0 : i32
    %add3A_60 = arith.addi %mul3A_58, %add3A_59 : i32
    "tpu.region"() ({
      %run_scoped3A = tpu.sem_alloc : memref<!tpu.dma_semaphore, #tpu.memory_space<semaphore_mem>>
      %dma_start3A_85 = arith.constant 0 : i32
      %dma_start3A_86 = tpu.memref_slice %arg5[%add3A_60, %dma_start3A_85] : memref<10240x128xf32, #tpu.memory_space<hbm>> -> memref<104x128xf32, #tpu.memory_space<hbm>>
      %dma_start3A_87 = arith.constant 0 : i32
      %dma_start3A_88 = tpu.memref_slice %arg11[%add3A_60, %dma_start3A_87] : memref<10240x128xf32, #tpu.memory_space<vmem_shared>> -> memref<104x128xf32, #tpu.memory_space<vmem_shared>>
      tpu.enqueue_dma source(%dma_start3A_88 : memref<104x128xf32, #tpu.memory_space<vmem_shared>>) target(%dma_start3A_86 : memref<104x128xf32, #tpu.memory_space<hbm>>) target_semaphore(%run_scoped3A : memref<!tpu.dma_semaphore, #tpu.memory_space<semaphore_mem>>)
      %dma_wait3A_89 = arith.constant 0 : i32
      %dma_wait3A_90 = tpu.memref_slice %arg5[%add3A_60, %dma_wait3A_89] : memref<10240x128xf32, #tpu.memory_space<hbm>> -> memref<104x128xf32, #tpu.memory_space<hbm>>
      %dma_wait3A_91 = arith.constant 0 : i32
      %dma_wait3A_92 = tpu.memref_slice %arg11[%add3A_60, %dma_wait3A_91] : memref<10240x128xf32, #tpu.memory_space<vmem_shared>> -> memref<104x128xf32, #tpu.memory_space<vmem_shared>>
      tpu.wait_dma2 semaphore(%run_scoped3A : memref<!tpu.dma_semaphore, #tpu.memory_space<semaphore_mem>>) src(%dma_wait3A_92 : memref<104x128xf32, #tpu.memory_space<vmem_shared>>) dst(%dma_wait3A_90 : memref<104x128xf32, #tpu.memory_space<hbm>>)
      tpu.yield
    }) : () -> ()
    %mul3A_61 = arith.constant 640 : i32
    %mul3A_62 = arith.muli %arg1, %mul3A_61 : i32
    %add3A_63 = arith.constant 104 : i32
    %add3A_64 = arith.addi %mul3A_62, %add3A_63 : i32
    "tpu.region"() ({
      %run_scoped3A = tpu.sem_alloc : memref<!tpu.dma_semaphore, #tpu.memory_space<semaphore_mem>>
      %dma_start3A_85 = arith.constant 0 : i32
      %dma_start3A_86 = tpu.memref_slice %arg5[%add3A_64, %dma_start3A_85] : memref<10240x128xf32, #tpu.memory_space<hbm>> -> memref<104x128xf32, #tpu.memory_space<hbm>>
      %dma_start3A_87 = arith.constant 0 : i32
      %dma_start3A_88 = tpu.memref_slice %arg11[%add3A_64, %dma_start3A_87] : memref<10240x128xf32, #tpu.memory_space<vmem_shared>> -> memref<104x128xf32, #tpu.memory_space<vmem_shared>>
      tpu.enqueue_dma source(%dma_start3A_88 : memref<104x128xf32, #tpu.memory_space<vmem_shared>>) target(%dma_start3A_86 : memref<104x128xf32, #tpu.memory_space<hbm>>) target_semaphore(%run_scoped3A : memref<!tpu.dma_semaphore, #tpu.memory_space<semaphore_mem>>)
      %dma_wait3A_89 = arith.constant 0 : i32
      %dma_wait3A_90 = tpu.memref_slice %arg5[%add3A_64, %dma_wait3A_89] : memref<10240x128xf32, #tpu.memory_space<hbm>> -> memref<104x128xf32, #tpu.memory_space<hbm>>
      %dma_wait3A_91 = arith.constant 0 : i32
      %dma_wait3A_92 = tpu.memref_slice %arg11[%add3A_64, %dma_wait3A_91] : memref<10240x128xf32, #tpu.memory_space<vmem_shared>> -> memref<104x128xf32, #tpu.memory_space<vmem_shared>>
      tpu.wait_dma2 semaphore(%run_scoped3A : memref<!tpu.dma_semaphore, #tpu.memory_space<semaphore_mem>>) src(%dma_wait3A_92 : memref<104x128xf32, #tpu.memory_space<vmem_shared>>) dst(%dma_wait3A_90 : memref<104x128xf32, #tpu.memory_space<hbm>>)
      tpu.yield
    }) : () -> ()
    %mul3A_65 = arith.constant 640 : i32
    %mul3A_66 = arith.muli %arg1, %mul3A_65 : i32
    %add3A_67 = arith.constant 208 : i32
    %add3A_68 = arith.addi %mul3A_66, %add3A_67 : i32
    "tpu.region"() ({
      %run_scoped3A = tpu.sem_alloc : memref<!tpu.dma_semaphore, #tpu.memory_space<semaphore_mem>>
      %dma_start3A_85 = arith.constant 0 : i32
      %dma_start3A_86 = tpu.memref_slice %arg5[%add3A_68, %dma_start3A_85] : memref<10240x128xf32, #tpu.memory_space<hbm>> -> memref<104x128xf32, #tpu.memory_space<hbm>>
      %dma_start3A_87 = arith.constant 0 : i32
      %dma_start3A_88 = tpu.memref_slice %arg11[%add3A_68, %dma_start3A_87] : memref<10240x128xf32, #tpu.memory_space<vmem_shared>> -> memref<104x128xf32, #tpu.memory_space<vmem_shared>>
      tpu.enqueue_dma source(%dma_start3A_88 : memref<104x128xf32, #tpu.memory_space<vmem_shared>>) target(%dma_start3A_86 : memref<104x128xf32, #tpu.memory_space<hbm>>) target_semaphore(%run_scoped3A : memref<!tpu.dma_semaphore, #tpu.memory_space<semaphore_mem>>)
      %dma_wait3A_89 = arith.constant 0 : i32
      %dma_wait3A_90 = tpu.memref_slice %arg5[%add3A_68, %dma_wait3A_89] : memref<10240x128xf32, #tpu.memory_space<hbm>> -> memref<104x128xf32, #tpu.memory_space<hbm>>
      %dma_wait3A_91 = arith.constant 0 : i32
      %dma_wait3A_92 = tpu.memref_slice %arg11[%add3A_68, %dma_wait3A_91] : memref<10240x128xf32, #tpu.memory_space<vmem_shared>> -> memref<104x128xf32, #tpu.memory_space<vmem_shared>>
      tpu.wait_dma2 semaphore(%run_scoped3A : memref<!tpu.dma_semaphore, #tpu.memory_space<semaphore_mem>>) src(%dma_wait3A_92 : memref<104x128xf32, #tpu.memory_space<vmem_shared>>) dst(%dma_wait3A_90 : memref<104x128xf32, #tpu.memory_space<hbm>>)
      tpu.yield
    }) : () -> ()
    %mul3A_69 = arith.constant 640 : i32
    %mul3A_70 = arith.muli %arg1, %mul3A_69 : i32
    %add3A_71 = arith.constant 312 : i32
    %add3A_72 = arith.addi %mul3A_70, %add3A_71 : i32
    "tpu.region"() ({
      %run_scoped3A = tpu.sem_alloc : memref<!tpu.dma_semaphore, #tpu.memory_space<semaphore_mem>>
      %dma_start3A_85 = arith.constant 0 : i32
      %dma_start3A_86 = tpu.memref_slice %arg5[%add3A_72, %dma_start3A_85] : memref<10240x128xf32, #tpu.memory_space<hbm>> -> memref<104x128xf32, #tpu.memory_space<hbm>>
      %dma_start3A_87 = arith.constant 0 : i32
      %dma_start3A_88 = tpu.memref_slice %arg11[%add3A_72, %dma_start3A_87] : memref<10240x128xf32, #tpu.memory_space<vmem_shared>> -> memref<104x128xf32, #tpu.memory_space<vmem_shared>>
      tpu.enqueue_dma source(%dma_start3A_88 : memref<104x128xf32, #tpu.memory_space<vmem_shared>>) target(%dma_start3A_86 : memref<104x128xf32, #tpu.memory_space<hbm>>) target_semaphore(%run_scoped3A : memref<!tpu.dma_semaphore, #tpu.memory_space<semaphore_mem>>)
      %dma_wait3A_89 = arith.constant 0 : i32
      %dma_wait3A_90 = tpu.memref_slice %arg5[%add3A_72, %dma_wait3A_89] : memref<10240x128xf32, #tpu.memory_space<hbm>> -> memref<104x128xf32, #tpu.memory_space<hbm>>
      %dma_wait3A_91 = arith.constant 0 : i32
      %dma_wait3A_92 = tpu.memref_slice %arg11[%add3A_72, %dma_wait3A_91] : memref<10240x128xf32, #tpu.memory_space<vmem_shared>> -> memref<104x128xf32, #tpu.memory_space<vmem_shared>>
      tpu.wait_dma2 semaphore(%run_scoped3A : memref<!tpu.dma_semaphore, #tpu.memory_space<semaphore_mem>>) src(%dma_wait3A_92 : memref<104x128xf32, #tpu.memory_space<vmem_shared>>) dst(%dma_wait3A_90 : memref<104x128xf32, #tpu.memory_space<hbm>>)
      tpu.yield
    }) : () -> ()
    %mul3A_73 = arith.constant 640 : i32
    %mul3A_74 = arith.muli %arg1, %mul3A_73 : i32
    %add3A_75 = arith.constant 416 : i32
    %add3A_76 = arith.addi %mul3A_74, %add3A_75 : i32
    "tpu.region"() ({
      %run_scoped3A = tpu.sem_alloc : memref<!tpu.dma_semaphore, #tpu.memory_space<semaphore_mem>>
      %dma_start3A_85 = arith.constant 0 : i32
      %dma_start3A_86 = tpu.memref_slice %arg5[%add3A_76, %dma_start3A_85] : memref<10240x128xf32, #tpu.memory_space<hbm>> -> memref<104x128xf32, #tpu.memory_space<hbm>>
      %dma_start3A_87 = arith.constant 0 : i32
      %dma_start3A_88 = tpu.memref_slice %arg11[%add3A_76, %dma_start3A_87] : memref<10240x128xf32, #tpu.memory_space<vmem_shared>> -> memref<104x128xf32, #tpu.memory_space<vmem_shared>>
      tpu.enqueue_dma source(%dma_start3A_88 : memref<104x128xf32, #tpu.memory_space<vmem_shared>>) target(%dma_start3A_86 : memref<104x128xf32, #tpu.memory_space<hbm>>) target_semaphore(%run_scoped3A : memref<!tpu.dma_semaphore, #tpu.memory_space<semaphore_mem>>)
      %dma_wait3A_89 = arith.constant 0 : i32
      %dma_wait3A_90 = tpu.memref_slice %arg5[%add3A_76, %dma_wait3A_89] : memref<10240x128xf32, #tpu.memory_space<hbm>> -> memref<104x128xf32, #tpu.memory_space<hbm>>
      %dma_wait3A_91 = arith.constant 0 : i32
      %dma_wait3A_92 = tpu.memref_slice %arg11[%add3A_76, %dma_wait3A_91] : memref<10240x128xf32, #tpu.memory_space<vmem_shared>> -> memref<104x128xf32, #tpu.memory_space<vmem_shared>>
      tpu.wait_dma2 semaphore(%run_scoped3A : memref<!tpu.dma_semaphore, #tpu.memory_space<semaphore_mem>>) src(%dma_wait3A_92 : memref<104x128xf32, #tpu.memory_space<vmem_shared>>) dst(%dma_wait3A_90 : memref<104x128xf32, #tpu.memory_space<hbm>>)
      tpu.yield
    }) : () -> ()
    %mul3A_77 = arith.constant 640 : i32
    %mul3A_78 = arith.muli %arg1, %mul3A_77 : i32
    %add3A_79 = arith.constant 520 : i32
    %add3A_80 = arith.addi %mul3A_78, %add3A_79 : i32
    "tpu.region"() ({
      %run_scoped3A = tpu.sem_alloc : memref<!tpu.dma_semaphore, #tpu.memory_space<semaphore_mem>>
      %dma_start3A_85 = arith.constant 0 : i32
      %dma_start3A_86 = tpu.memref_slice %arg5[%add3A_80, %dma_start3A_85] : memref<10240x128xf32, #tpu.memory_space<hbm>> -> memref<104x128xf32, #tpu.memory_space<hbm>>
      %dma_start3A_87 = arith.constant 0 : i32
      %dma_start3A_88 = tpu.memref_slice %arg11[%add3A_80, %dma_start3A_87] : memref<10240x128xf32, #tpu.memory_space<vmem_shared>> -> memref<104x128xf32, #tpu.memory_space<vmem_shared>>
      tpu.enqueue_dma source(%dma_start3A_88 : memref<104x128xf32, #tpu.memory_space<vmem_shared>>) target(%dma_start3A_86 : memref<104x128xf32, #tpu.memory_space<hbm>>) target_semaphore(%run_scoped3A : memref<!tpu.dma_semaphore, #tpu.memory_space<semaphore_mem>>)
      %dma_wait3A_89 = arith.constant 0 : i32
      %dma_wait3A_90 = tpu.memref_slice %arg5[%add3A_80, %dma_wait3A_89] : memref<10240x128xf32, #tpu.memory_space<hbm>> -> memref<104x128xf32, #tpu.memory_space<hbm>>
      %dma_wait3A_91 = arith.constant 0 : i32
      %dma_wait3A_92 = tpu.memref_slice %arg11[%add3A_80, %dma_wait3A_91] : memref<10240x128xf32, #tpu.memory_space<vmem_shared>> -> memref<104x128xf32, #tpu.memory_space<vmem_shared>>
      tpu.wait_dma2 semaphore(%run_scoped3A : memref<!tpu.dma_semaphore, #tpu.memory_space<semaphore_mem>>) src(%dma_wait3A_92 : memref<104x128xf32, #tpu.memory_space<vmem_shared>>) dst(%dma_wait3A_90 : memref<104x128xf32, #tpu.memory_space<hbm>>)
      tpu.yield
    }) : () -> ()
    %mul3A_81 = arith.constant 640 : i32
    %mul3A_82 = arith.muli %arg1, %mul3A_81 : i32
    %add3A_83 = arith.constant 624 : i32
    %add3A_84 = arith.addi %mul3A_82, %add3A_83 : i32
    "tpu.region"() ({
      %run_scoped3A = tpu.sem_alloc : memref<!tpu.dma_semaphore, #tpu.memory_space<semaphore_mem>>
      %dma_start3A_85 = arith.constant 0 : i32
      %dma_start3A_86 = tpu.memref_slice %arg5[%add3A_84, %dma_start3A_85] : memref<10240x128xf32, #tpu.memory_space<hbm>> -> memref<16x128xf32, #tpu.memory_space<hbm>>
      %dma_start3A_87 = arith.constant 0 : i32
      %dma_start3A_88 = tpu.memref_slice %arg11[%add3A_84, %dma_start3A_87] : memref<10240x128xf32, #tpu.memory_space<vmem_shared>> -> memref<16x128xf32, #tpu.memory_space<vmem_shared>>
      tpu.enqueue_dma source(%dma_start3A_88 : memref<16x128xf32, #tpu.memory_space<vmem_shared>>) target(%dma_start3A_86 : memref<16x128xf32, #tpu.memory_space<hbm>>) target_semaphore(%run_scoped3A : memref<!tpu.dma_semaphore, #tpu.memory_space<semaphore_mem>>)
      %dma_wait3A_89 = arith.constant 0 : i32
      %dma_wait3A_90 = tpu.memref_slice %arg5[%add3A_84, %dma_wait3A_89] : memref<10240x128xf32, #tpu.memory_space<hbm>> -> memref<16x128xf32, #tpu.memory_space<hbm>>
      %dma_wait3A_91 = arith.constant 0 : i32
      %dma_wait3A_92 = tpu.memref_slice %arg11[%add3A_84, %dma_wait3A_91] : memref<10240x128xf32, #tpu.memory_space<vmem_shared>> -> memref<16x128xf32, #tpu.memory_space<vmem_shared>>
      tpu.wait_dma2 semaphore(%run_scoped3A : memref<!tpu.dma_semaphore, #tpu.memory_space<semaphore_mem>>) src(%dma_wait3A_92 : memref<16x128xf32, #tpu.memory_space<vmem_shared>>) dst(%dma_wait3A_90 : memref<16x128xf32, #tpu.memory_space<hbm>>)
      tpu.yield
    }) : () -> ()
    return
  }
}

module attributes {stable_mosaic.version = 14 : i64} {
  func.func @_mm_body(%arg0: i32, %arg1: memref<2560x128xf32, #tpu.memory_space<vmem>>, %arg2: memref<128x128xf32, #tpu.memory_space<vmem>>, %arg3: memref<2560x128xf32, #tpu.memory_space<vmem>>) attributes {dimension_semantics = [#tpu.dimension_semantics<arbitrary>], iteration_bounds = array<i64: 4>, scalar_prefetch = 0 : i64, scratch_operands = 0 : i64, tpu.core_type = #tpu.core_type<tc>, window_params = [{transform_indices = @transform_0, window_bounds = array<i64: 2560, 128>}, {pipeline_mode = #tpu.pipeline_mode<synchronous>, transform_indices = @transform_1, window_bounds = array<i64: 128, 128>}, {transform_indices = @transform_2, window_bounds = array<i64: 2560, 128>}]} {
    %get3A = arith.constant 0 : index
    %get3A_0 = arith.constant 0 : index
    %get3A_1 = vector.load %arg1[%get3A, %get3A_0] : memref<2560x128xf32, #tpu.memory_space<vmem>>, vector<2560x128xf32>
    %get3A_2 = arith.constant 0 : index
    %get3A_3 = arith.constant 0 : index
    %get3A_4 = vector.load %arg2[%get3A_2, %get3A_3] : memref<128x128xf32, #tpu.memory_space<vmem>>, vector<128x128xf32>
    %dot_general3A = arith.constant dense<0.000000e+00> : vector<2560x128xf32>
    %dot_general3A_5 = tpu.matmul %get3A_1, %get3A_4, %dot_general3A {dimension_numbers = #tpu.dot_dimension_numbers<[1], [0], [0], [1], [0, 0, 1, 1], [], []>, transpose_lhs_hint = false} : vector<2560x128xf32>, vector<128x128xf32>, vector<2560x128xf32> -> vector<2560x128xf32>
    %swap3A = arith.constant 0 : index
    %swap3A_6 = arith.constant 0 : index
    %swap3A_7 = vector.load %arg3[%swap3A, %swap3A_6] : memref<2560x128xf32, #tpu.memory_space<vmem>>, vector<2560x128xf32>
    tpu.vector_store %arg3[%swap3A, %swap3A_6], %dot_general3A_5 {strides = array<i32>} : memref<2560x128xf32, #tpu.memory_space<vmem>>, vector<2560x128xf32>,
    return
  }
  func.func @transform_0(%arg0: i32) -> (i32, i32) {
    %c0_i32 = arith.constant 0 : i32
    %c0_i32_0 = arith.constant 0 : i32
    return %arg0, %c0_i32 : i32, i32
  }
  func.func @transform_1(%arg0: i32) -> (i32, i32) {
    %c0_i32 = arith.constant 0 : i32
    %c0_i32_0 = arith.constant 0 : i32
    %c0_i32_1 = arith.constant 0 : i32
    return %c0_i32, %c0_i32_0 : i32, i32
  }
  func.func @transform_2(%arg0: i32) -> (i32, i32) {
    %c0_i32 = arith.constant 0 : i32
    %c0_i32_0 = arith.constant 0 : i32
    return %arg0, %c0_i32 : i32, i32
  }
}

module attributes {stable_mosaic.version = 14 : i64} {
  func.func @_prep_body(%arg0: i32, %arg1: memref<16x2560xf32, #tpu.memory_space<vmem>>, %arg2: memref<2560x128xf32, #tpu.memory_space<vmem>>, %arg3: memref<2560x128xf32, #tpu.memory_space<vmem>>, %arg4: memref<2560x1xf32, #tpu.memory_space<vmem>>) attributes {dimension_semantics = [#tpu.dimension_semantics<arbitrary>], iteration_bounds = array<i64: 4>, scalar_prefetch = 0 : i64, scratch_operands = 0 : i64, tpu.core_type = #tpu.core_type<tc>, window_params = [{transform_indices = @transform_0, window_bounds = array<i64: 16, 2560>}, {transform_indices = @transform_1, window_bounds = array<i64: 2560, 128>}, {transform_indices = @transform_2, window_bounds = array<i64: 2560, 128>}, {transform_indices = @transform_3, window_bounds = array<i64: 2560, 1>}]} {
    %get3A = arith.constant 0 : index
    %get3A_0 = arith.constant 0 : index
    %get3A_1 = vector.load %arg1[%get3A, %get3A_0] : memref<16x2560xf32, #tpu.memory_space<vmem>>, vector<16x2560xf32>
    %broadcast_in_dim3A = arith.constant 1.000000e+00 : f32
    %broadcast_in_dim3A_2 = vector.broadcast %broadcast_in_dim3A : f32 to vector<16x1xf32>
    %dot_general3A = arith.constant dense<0.000000e+00> : vector<2560x1xf32>
    %dot_general3A_3 = tpu.matmul %get3A_1, %broadcast_in_dim3A_2, %dot_general3A {dimension_numbers = #tpu.dot_dimension_numbers<[0], [0], [1], [1], [0, 1, 1, 1], [], []>, transpose_lhs_hint = false} : vector<16x2560xf32>, vector<16x1xf32>, vector<2560x1xf32> -> vector<2560x1xf32>
    %add3A = arith.constant 1.000000e+00 : f32
    %add3A_4 = vector.broadcast %add3A : f32 to vector<2560x1xf32>
    %add3A_5 = arith.addf %dot_general3A_3, %add3A_4 : vector<2560x1xf32>
    %sqrt3A = math.sqrt %add3A_5 : vector<2560x1xf32>
    %div3A = arith.constant 1.000000e+00 : f32
    %div3A_6 = vector.broadcast %div3A : f32 to vector<2560x1xf32>
    %div3A_7 = arith.divf %div3A_6, %sqrt3A : vector<2560x1xf32>
    %swap3A = arith.constant 0 : index
    %swap3A_8 = arith.constant 0 : index
    %swap3A_9 = vector.load %arg4[%swap3A, %swap3A_8] : memref<2560x1xf32, #tpu.memory_space<vmem>>, vector<2560x1xf32>
    tpu.vector_store %arg4[%swap3A, %swap3A_8], %div3A_7 {strides = array<i32>} : memref<2560x1xf32, #tpu.memory_space<vmem>>, vector<2560x1xf32>,
    %get3A_10 = arith.constant 0 : index
    %get3A_11 = arith.constant 0 : index
    %get3A_12 = vector.load %arg2[%get3A_10, %get3A_11] : memref<2560x128xf32, #tpu.memory_space<vmem>>, vector<2560x128xf32>
    %mul3A = vector.broadcast %div3A_7 : vector<2560x1xf32> to vector<2560x128xf32>
    %mul3A_13 = arith.mulf %get3A_12, %mul3A : vector<2560x128xf32>
    %swap3A_14 = arith.constant 0 : index
    %swap3A_15 = arith.constant 0 : index
    %swap3A_16 = vector.load %arg3[%swap3A_14, %swap3A_15] : memref<2560x128xf32, #tpu.memory_space<vmem>>, vector<2560x128xf32>
    tpu.vector_store %arg3[%swap3A_14, %swap3A_15], %mul3A_13 {strides = array<i32>} : memref<2560x128xf32, #tpu.memory_space<vmem>>, vector<2560x128xf32>,
    return
  }
  func.func @transform_0(%arg0: i32) -> (i32, i32) {
    %c0_i32 = arith.constant 0 : i32
    %c0_i32_0 = arith.constant 0 : i32
    return %c0_i32, %arg0 : i32, i32
  }
  func.func @transform_1(%arg0: i32) -> (i32, i32) {
    %c0_i32 = arith.constant 0 : i32
    %c0_i32_0 = arith.constant 0 : i32
    return %arg0, %c0_i32 : i32, i32
  }
  func.func @transform_2(%arg0: i32) -> (i32, i32) {
    %c0_i32 = arith.constant 0 : i32
    %c0_i32_0 = arith.constant 0 : i32
    return %arg0, %c0_i32 : i32, i32
  }
  func.func @transform_3(%arg0: i32) -> (i32, i32) {
    %c0_i32 = arith.constant 0 : i32
    %c0_i32_0 = arith.constant 0 : i32
    return %arg0, %c0_i32 : i32, i32
  }
}

module attributes {stable_mosaic.version = 14 : i64} {
  func.func @_mid_body(%arg0: i32, %arg1: memref<2560x128xf32, #tpu.memory_space<vmem>>, %arg2: memref<2560x128xf32, #tpu.memory_space<vmem>>, %arg3: memref<2560x1xf32, #tpu.memory_space<vmem>>, %arg4: memref<1x128xf32, #tpu.memory_space<vmem>>, %arg5: memref<128x1xf32, #tpu.memory_space<vmem>>, %arg6: memref<2560x1xf32, #tpu.memory_space<vmem>>, %arg7: memref<2560x1xf32, #tpu.memory_space<vmem>>) attributes {dimension_semantics = [#tpu.dimension_semantics<arbitrary>], iteration_bounds = array<i64: 4>, scalar_prefetch = 0 : i64, scratch_operands = 0 : i64, tpu.core_type = #tpu.core_type<tc>, window_params = [{transform_indices = @transform_0, window_bounds = array<i64: 2560, 128>}, {transform_indices = @transform_1, window_bounds = array<i64: 2560, 128>}, {transform_indices = @transform_2, window_bounds = array<i64: 2560, 1>}, {pipeline_mode = #tpu.pipeline_mode<synchronous>, transform_indices = @transform_3, window_bounds = array<i64: 1, 128>}, {pipeline_mode = #tpu.pipeline_mode<synchronous>, transform_indices = @transform_4, window_bounds = array<i64: 128, 1>}, {transform_indices = @transform_5, window_bounds = array<i64: 2560, 1>}, {transform_indices = @transform_6, window_bounds = array<i64: 2560, 1>}]} {
    %get3A = arith.constant 0 : index
    %get3A_0 = arith.constant 0 : index
    %get3A_1 = vector.load %arg3[%get3A, %get3A_0] : memref<2560x1xf32, #tpu.memory_space<vmem>>, vector<2560x1xf32>
    %get3A_2 = arith.constant 0 : index
    %get3A_3 = arith.constant 0 : index
    %get3A_4 = vector.load %arg1[%get3A_2, %get3A_3] : memref<2560x128xf32, #tpu.memory_space<vmem>>, vector<2560x128xf32>
    %mul3A = vector.broadcast %get3A_1 : vector<2560x1xf32> to vector<2560x128xf32>
    %mul3A_5 = arith.mulf %mul3A, %get3A_4 : vector<2560x128xf32>
    %mul3A_6 = arith.mulf %get3A_1, %get3A_1 : vector<2560x1xf32>
    %get3A_7 = arith.constant 0 : index
    %get3A_8 = arith.constant 0 : index
    %get3A_9 = vector.load %arg2[%get3A_7, %get3A_8] : memref<2560x128xf32, #tpu.memory_space<vmem>>, vector<2560x128xf32>
    %mul3A_10 = vector.broadcast %mul3A_6 : vector<2560x1xf32> to vector<2560x128xf32>
    %mul3A_11 = arith.mulf %mul3A_10, %get3A_9 : vector<2560x128xf32>
    %add3A = arith.addf %mul3A_5, %mul3A_11 : vector<2560x128xf32>
    %get3A_12 = arith.constant 0 : index
    %get3A_13 = arith.constant 0 : index
    %get3A_14 = vector.load %arg4[%get3A_12, %get3A_13] : memref<1x128xf32, #tpu.memory_space<vmem>>, vector<1x128xf32>
    %add3A_15 = vector.broadcast %get3A_14 : vector<1x128xf32> to vector<2560x128xf32>
    %add3A_16 = arith.addf %add3A, %add3A_15 : vector<2560x128xf32>
    %max3A = arith.constant 0.000000e+00 : f32
    %max3A_17 = vector.broadcast %max3A : f32 to vector<2560x128xf32>
    %max3A_18 = arith.maximumf %add3A_16, %max3A_17 : vector<2560x128xf32>
    %get3A_19 = arith.constant 0 : index
    %get3A_20 = arith.constant 0 : index
    %get3A_21 = vector.load %arg5[%get3A_19, %get3A_20] : memref<128x1xf32, #tpu.memory_space<vmem>>, vector<128x1xf32>
    %dot_general3A = arith.constant dense<0.000000e+00> : vector<2560x1xf32>
    %dot_general3A_22 = tpu.matmul %max3A_18, %get3A_21, %dot_general3A {dimension_numbers = #tpu.dot_dimension_numbers<[1], [0], [0], [1], [0, 0, 1, 1], [], []>, transpose_lhs_hint = false} : vector<2560x128xf32>, vector<128x1xf32>, vector<2560x1xf32> -> vector<2560x1xf32>
    %swap3A = arith.constant 0 : index
    %swap3A_23 = arith.constant 0 : index
    %swap3A_24 = vector.load %arg7[%swap3A, %swap3A_23] : memref<2560x1xf32, #tpu.memory_space<vmem>>, vector<2560x1xf32>
    tpu.vector_store %arg7[%swap3A, %swap3A_23], %dot_general3A_22 {strides = array<i32>} : memref<2560x1xf32, #tpu.memory_space<vmem>>, vector<2560x1xf32>,
    %mul3A_25 = arith.mulf %get3A_1, %dot_general3A_22 : vector<2560x1xf32>
    %swap3A_26 = arith.constant 0 : index
    %swap3A_27 = arith.constant 0 : index
    %swap3A_28 = vector.load %arg6[%swap3A_26, %swap3A_27] : memref<2560x1xf32, #tpu.memory_space<vmem>>, vector<2560x1xf32>
    tpu.vector_store %arg6[%swap3A_26, %swap3A_27], %mul3A_25 {strides = array<i32>} : memref<2560x1xf32, #tpu.memory_space<vmem>>, vector<2560x1xf32>,
    return
  }
  func.func @transform_0(%arg0: i32) -> (i32, i32) {
    %c0_i32 = arith.constant 0 : i32
    %c0_i32_0 = arith.constant 0 : i32
    return %arg0, %c0_i32 : i32, i32
  }
  func.func @transform_1(%arg0: i32) -> (i32, i32) {
    %c0_i32 = arith.constant 0 : i32
    %c0_i32_0 = arith.constant 0 : i32
    return %arg0, %c0_i32 : i32, i32
  }
  func.func @transform_2(%arg0: i32) -> (i32, i32) {
    %c0_i32 = arith.constant 0 : i32
    %c0_i32_0 = arith.constant 0 : i32
    return %arg0, %c0_i32 : i32, i32
  }
  func.func @transform_3(%arg0: i32) -> (i32, i32) {
    %c0_i32 = arith.constant 0 : i32
    %c0_i32_0 = arith.constant 0 : i32
    %c0_i32_1 = arith.constant 0 : i32
    return %c0_i32, %c0_i32_0 : i32, i32
  }
  func.func @transform_4(%arg0: i32) -> (i32, i32) {
    %c0_i32 = arith.constant 0 : i32
    %c0_i32_0 = arith.constant 0 : i32
    %c0_i32_1 = arith.constant 0 : i32
    return %c0_i32, %c0_i32_0 : i32, i32
  }
  func.func @transform_5(%arg0: i32) -> (i32, i32) {
    %c0_i32 = arith.constant 0 : i32
    %c0_i32_0 = arith.constant 0 : i32
    return %arg0, %c0_i32 : i32, i32
  }
  func.func @transform_6(%arg0: i32) -> (i32, i32) {
    %c0_i32 = arith.constant 0 : i32
    %c0_i32_0 = arith.constant 0 : i32
    return %arg0, %c0_i32 : i32, i32
  }
}

module attributes {stable_mosaic.version = 14 : i64} {
  func.func @_fin_body(%arg0: i32, %arg1: memref<16x2560xf32, #tpu.memory_space<vmem>>, %arg2: memref<2560x1xf32, #tpu.memory_space<vmem>>, %arg3: memref<2560x1xf32, #tpu.memory_space<vmem>>, %arg4: memref<1x1xf32, #tpu.memory_space<vmem>>, %arg5: memref<2560x1xf32, #tpu.memory_space<vmem>>) attributes {dimension_semantics = [#tpu.dimension_semantics<arbitrary>], iteration_bounds = array<i64: 4>, scalar_prefetch = 0 : i64, scratch_operands = 0 : i64, tpu.core_type = #tpu.core_type<tc>, window_params = [{transform_indices = @transform_0, window_bounds = array<i64: 16, 2560>}, {transform_indices = @transform_1, window_bounds = array<i64: 2560, 1>}, {transform_indices = @transform_2, window_bounds = array<i64: 2560, 1>}, {pipeline_mode = #tpu.pipeline_mode<synchronous>, transform_indices = @transform_3, window_bounds = array<i64: 1, 1>}, {transform_indices = @transform_4, window_bounds = array<i64: 2560, 1>}]} {
    %get3A = arith.constant 0 : index
    %get3A_0 = arith.constant 0 : index
    %get3A_1 = vector.load %arg3[%get3A, %get3A_0] : memref<2560x1xf32, #tpu.memory_space<vmem>>, vector<2560x1xf32>
    %get3A_2 = arith.constant 0 : index
    %get3A_3 = arith.constant 0 : index
    %get3A_4 = vector.load %arg1[%get3A_2, %get3A_3] : memref<16x2560xf32, #tpu.memory_space<vmem>>, vector<16x2560xf32>
    %broadcast_in_dim3A = arith.constant 1.000000e+00 : f32
    %broadcast_in_dim3A_5 = vector.broadcast %broadcast_in_dim3A : f32 to vector<16x1xf32>
    %dot_general3A = arith.constant dense<0.000000e+00> : vector<2560x1xf32>
    %dot_general3A_6 = tpu.matmul %get3A_4, %broadcast_in_dim3A_5, %dot_general3A {dimension_numbers = #tpu.dot_dimension_numbers<[0], [0], [1], [1], [0, 1, 1, 1], [], []>, transpose_lhs_hint = false} : vector<16x2560xf32>, vector<16x1xf32>, vector<2560x1xf32> -> vector<2560x1xf32>
    %mul3A = arith.mulf %get3A_1, %dot_general3A_6 : vector<2560x1xf32>
    %mul3A_7 = arith.mulf %get3A_1, %get3A_1 : vector<2560x1xf32>
    %get3A_8 = arith.constant 0 : index
    %get3A_9 = arith.constant 0 : index
    %get3A_10 = vector.load %arg2[%get3A_8, %get3A_9] : memref<2560x1xf32, #tpu.memory_space<vmem>>, vector<2560x1xf32>
    %mul3A_11 = arith.mulf %mul3A_7, %get3A_10 : vector<2560x1xf32>
    %add3A = arith.addf %mul3A, %mul3A_11 : vector<2560x1xf32>
    %get3A_12 = arith.constant 0 : index
    %get3A_13 = arith.constant 0 : index
    %get3A_14 = vector.load %arg4[%get3A_12, %get3A_13] : memref<1x1xf32, #tpu.memory_space<vmem>>, vector<1x1xf32>
    %add3A_15 = vector.broadcast %get3A_14 : vector<1x1xf32> to vector<2560x1xf32>
    %add3A_16 = arith.addf %add3A, %add3A_15 : vector<2560x1xf32>
    %swap3A = arith.constant 0 : index
    %swap3A_17 = arith.constant 0 : index
    %swap3A_18 = vector.load %arg5[%swap3A, %swap3A_17] : memref<2560x1xf32, #tpu.memory_space<vmem>>, vector<2560x1xf32>
    tpu.vector_store %arg5[%swap3A, %swap3A_17], %add3A_16 {strides = array<i32>} : memref<2560x1xf32, #tpu.memory_space<vmem>>, vector<2560x1xf32>,
    return
  }
  func.func @transform_0(%arg0: i32) -> (i32, i32) {
    %c0_i32 = arith.constant 0 : i32
    %c0_i32_0 = arith.constant 0 : i32
    return %c0_i32, %arg0 : i32, i32
  }
  func.func @transform_1(%arg0: i32) -> (i32, i32) {
    %c0_i32 = arith.constant 0 : i32
    %c0_i32_0 = arith.constant 0 : i32
    return %arg0, %c0_i32 : i32, i32
  }
  func.func @transform_2(%arg0: i32) -> (i32, i32) {
    %c0_i32 = arith.constant 0 : i32
    %c0_i32_0 = arith.constant 0 : i32
    return %arg0, %c0_i32 : i32, i32
  }
  func.func @transform_3(%arg0: i32) -> (i32, i32) {
    %c0_i32 = arith.constant 0 : i32
    %c0_i32_0 = arith.constant 0 : i32
    %c0_i32_1 = arith.constant 0 : i32
    return %c0_i32, %c0_i32_0 : i32, i32
  }
  func.func @transform_4(%arg0: i32) -> (i32, i32) {
    %c0_i32 = arith.constant 0 : i32
    %c0_i32_0 = arith.constant 0 : i32
    return %arg0, %c0_i32 : i32, i32
  }
}

</mosaic_0001>

<sc_bundles>
// kernel: kernel.12.cloned.1.call-start
scs
__scs_entry_jumppad:
0x0: {  	(pc) =	sbr.rel $0x88, $3  }
0x1: {  	(tag) =	ssettag $0x0;
	lr =	simm.s32 $0x1  }
0x2: {  	[smem:$0x3F9B] =	sst lr;
	_ =	strace $0xD0000000  }
0x3: {  	_ = 	snop  }
0x4: {  	_ = 	snop  }
0x5: {  	_ = 	snop  }
0x6: {  	_ = 	snop  }
0x7: {  	_ = 	snop  }
__scs_overlays_trampoline_lowered:
0x8: {  	[smem:$0x3FAA] =	sst s0  }
0x9: {  	[smem:$0x3FAB] =	sst s1  }
0xa: {  	[smem:$0x3FAC] =	sst s2  }
0xb: {  	[smem:$0x3FAD] =	sst s3  }
0xc: {  	[smem:$0x3FAE] =	sst s4  }
0xd: {  	[smem:$0x3FAF] =	sst s5  }
0xe: {  	[smem:$0x3FB0] =	sst s6  }
0xf: {  	[smem:$0x3FB1] =	sst s7  }
0x10: {  	[smem:$0x3FB2] =	sst s8  }
0x11: {  	[smem:$0x3FB3] =	sst s9;
	s0 =	simm.s32 @!p0 $0x0  }
0x12: {  	s1 =	sld [smem:$0x3F99];
	s0 =	simm.s32 @p0 $0x1  }
0x13: {  	[smem:$0x3FB4] =	sst s0;
	s0 =	simm.s32 @!p1 $0x0  }
0x14: {  	s2 =	sld [smem:$0x3F98];
	s0 =	simm.s32 @p1 $0x1  }
0x15: {  	[smem:$0x3FB5] =	sst s0;
	s0 =	simm.s32 @!p2 $0x0  }
0x16: {  	s3 =	sld [smem:$0x3FDB];
	s0 =	simm.s32 @p2 $0x1  }
0x17: {  	s4 =	simm.s32 $0x1BF5;
	[smem:$0x3FB7] =	sst s0  }
0x18: {  	s0 =	sld [smem:$0x3F9A];
	_ =	swait.ge [sflag:s4], $0x0  }
0x19: {  	s7 =	sld [smem:$0x3F9B]  }
0x1a: {  	s8 =	sadd.s32 $0xFFFFE003, lr  }
0x1b: {  	s9 =	sadd.s32 $0xFFFFFEF7, lr;
	s5 =	simm.s32 $0xFFFFFFFF;
	p2 =	slt.u32 s8, $0xFFFFF086  }
0x1c: {  	p1 =	slt.u32 s9, $0xF7A;
	s5 =	simm.s32 @!p2 $0x0  }
0x1d: {  	s5 =	simm.s32 @p1 $0x1;
	p0 =	seq.s32 s7, s2  }
0x1e: {  	s7 =	smul.u32 @!p0 $0xF7A, s2;
	p2 =	seq.s32 @!p0 s5, $0x0  }
0x1f: {  	s9 =	smul.u32 $0xF7A, s1;
	s8 =	simm.s32 @!p0 $0x1BF5;
	p2 =	por !p2, p0  }
0x20: {  	[sflag:s8] =	ssyncset.s32 @!p0 $0xFFFFF086;
	s6 =	sadd.s32 @!p0 s3, s7;
	s7 =	simm.s32 @!p0 $0x108  }
0x21: {  	s3 =	sadd.s32 s3, s9;
	s6 =	sadd.s32 @!p0 $0x88, s6;
	s7 =	simm.s32 @p2 $0x1082  }
0x22: {  	[simem:s7], [sflag:s8] =	dma.local @!p0 [hbm:s6], $0xF7A  }
0x23: {  	s9 =	sor.u32 $0xD0000000, s2;
	s6 =	simm.s32 $0x108;
	_ =	swait.ge @!p0 [sflag:s8], $0x0  }
0x24: {  	s3 =	sadd.s32 $0x88, s3;
	s6 =	simm.s32 @!p1 $0x1082;
	[sflag:s4] =	ssyncset.s32 $0xFFFFF086  }
0x25: {  	[simem:s6], [sflag:s4] =	dma.local [hbm:s3], $0xF7A  }
0x26: {  	[smem:$0x3F9B] =	sst s1;
	(tag) =	ssettag s2;
	_ =	strace s9  }
0x27: {  	s1 =	sld [smem:$0x3FAB]  }
0x28: {  	s2 =	sld [smem:$0x3FAC]  }
0x29: {  	s4 =	sld [smem:$0x3FAE]  }
0x2a: {  	p0 =	seq.s32 s5, $0x0;
	s5 =	sld [smem:$0x3FAF]  }
0x2b: {  	s6 =	sld [smem:$0x3FB0]  }
0x2c: {  	s7 =	sld [smem:$0x3FB1]  }
0x2d: {  	s3 =	simm.s32 $0x108;
	s8 =	sld [smem:$0x3FB2]  }
0x2e: {  	s3 =	simm.s32 @!p0 $0x1082;
	s9 =	sld [smem:$0x3FB3]  }
0x2f: {  	lr =	sadd.s32 s0, s3;
	s0 =	sld [smem:$0x3FAA]  }
0x30: {  	s3 =	sld [smem:$0x3FAD]  }
0x31: {  	[smem:$0x3FB6] =	sst s10  }
0x32: {  	s10 =	sld [smem:$0x3FB4];
	_ =	sdelay $0x3  }
0x33: {  	p0 =	seq.s32 s10, $0x1;
	s10 =	sld [smem:$0x3FB6];
	_ =	sdelay $0x3  }
0x34: {  	[smem:$0x3FB6] =	sst s10  }
0x35: {  	s10 =	sld [smem:$0x3FB5];
	_ =	sdelay $0x3  }
0x36: {  	p1 =	seq.s32 s10, $0x1;
	s10 =	sld [smem:$0x3FB6];
	_ =	sdelay $0x3  }
0x37: {  	[smem:$0x3FB6] =	sst s10  }
0x38: {  	s10 =	sld [smem:$0x3FB7]  }
0x39: {  	_ = 	snop;
	(pc) =	sbr.ind lr, $3  }
0x3a: {  	_ = 	snop  }
0x3b: {  	_ = 	snop  }
0x3c: {  	p2 =	seq.s32 s10, $0x1;
	s10 =	sld [smem:$0x3FB6]  }
0x3d: {  	_ =	shalt  }
0x3e: {  	_ =	shalt  }
0x3f: {  	_ =	shalt  }
0x40: {  	_ =	shalt  }
0x41: {  	_ =	shalt  }
0x42: {  	_ =	shalt  }
0x43: {  	_ =	shalt  }
0x44: {  	_ =	shalt  }
0x45: {  	_ =	shalt  }
0x46: {  	_ =	shalt  }
0x47: {  	_ =	shalt  }
0x48: {  	_ =	shalt  }
0x49: {  	_ =	shalt  }
0x4a: {  	_ =	shalt  }
0x4b: {  	_ =	shalt  }
0x4c: {  	_ =	shalt  }
0x4d: {  	_ =	shalt  }
0x4e: {  	_ =	shalt  }
0x4f: {  	_ =	shalt  }
0x50: {  	_ =	shalt  }
0x51: {  	_ =	shalt  }
0x52: {  	_ =	shalt  }
0x53: {  	_ =	shalt  }
0x54: {  	_ =	shalt  }
0x55: {  	_ =	shalt  }
0x56: {  	_ =	shalt  }
0x57: {  	_ =	shalt  }
0x58: {  	_ =	shalt  }
0x59: {  	_ =	shalt  }
0x5a: {  	_ =	shalt  }
0x5b: {  	_ =	shalt  }
0x5c: {  	_ =	shalt  }
0x5d: {  	_ =	shalt  }
0x5e: {  	_ =	shalt  }
0x5f: {  	_ =	shalt  }
0x60: {  	_ =	shalt  }
0x61: {  	_ =	shalt  }
0x62: {  	_ =	shalt  }
0x63: {  	_ =	shalt  }
0x64: {  	_ =	shalt  }
0x65: {  	_ =	shalt  }
0x66: {  	_ =	shalt  }
0x67: {  	_ =	shalt  }
0x68: {  	_ =	shalt  }
0x69: {  	_ =	shalt  }
0x6a: {  	_ =	shalt  }
0x6b: {  	_ =	shalt  }
0x6c: {  	_ =	shalt  }
0x6d: {  	_ =	shalt  }
0x6e: {  	_ =	shalt  }
0x6f: {  	_ =	shalt  }
0x70: {  	_ =	shalt  }
0x71: {  	_ =	shalt  }
0x72: {  	_ =	shalt  }
0x73: {  	_ =	shalt  }
0x74: {  	_ =	shalt  }
0x75: {  	_ =	shalt  }
0x76: {  	_ =	shalt  }
0x77: {  	_ =	shalt  }
0x78: {  	_ =	shalt  }
0x79: {  	_ =	shalt  }
0x7a: {  	_ =	shalt  }
0x7b: {  	_ =	shalt  }
0x7c: {  	_ =	shalt  }
0x7d: {  	_ =	shalt  }
0x7e: {  	_ =	shalt  }
0x7f: {  	_ =	shalt  }
0x80: {  	_ =	shalt  }
0x81: {  	_ =	shalt  }
0x82: {  	_ =	shalt  }
0x83: {  	_ =	shalt  }
0x84: {  	_ =	shalt  }
0x85: {  	_ =	shalt  }
0x86: {  	_ =	shalt  }
0x87: {  	_ =	shalt  }
.Lfunc_end0:
.L_simem_size_0:
called_computation.1_lowered:
.L_overlay_start_0:
0x88: {  	s0 =	sld [smem:$0x3FD9]  }
0x89: {  	s1 =	sld [smem:$0x3FFE];
	_ =	sdelay $0x3  }
0x8a: {  	s0 =	sadd.s32 s1, s0  }
0x8b: {  	[smem:$0x3FC2] =	sst s0  }
0x8c: {  	_ = 	snop  }
0x8d: {  	(tm) =	ssettm $0x1  }
0x8e: {  	s15 =	sld [smem:$0x3FFB];
	_ =	sdelay $0x3  }
0x8f: {  	_ =	strace s15  }
0x90: {  	s0 =	sld [smem:$0x3FFC];
	_ =	sdelay $0x3  }
0x91: {  	_ =	strace s0  }
0x92: {  	s0 =	sld [smem:$0x3FFD];
	_ =	sdelay $0x3  }
0x93: {  	_ =	strace s0  }
0x94: {  	_ =	strace $0x8FFFFFFF  }
0x95: {  	s16 =	sld [smem:$0x3FDB];
	_ =	sdelay $0x1  }
0x96: {  	s17 =	simm.s32 $_scs_section_size  }
0x97: {  	s2 =	simm.s32 $_size__tile_overlayer_lowered;
	s3 =	simm.s32 $_tile_overlayer_lowered  }
0x98: {  	s20 =	simm.s32 $0x1BFF;
	s19 =	sshll.u32 s3, $0x1;
	s0 =	sadd.s32 s17, s16  }
0x99: {  	s4 =	simm.s32 $0x0;
	s18 =	sshll.u32 s2, $0x1;
	s2 =	sadd.s32 s19, s0  }
0x9a: {  	[timem:s4], [sflag:s20] =	dma.local [hbm:s2], s18  }
0x9b: {  	_ =	swait.ge [sflag:s20], s18  }
0x9c: {  	s1 =	ssub.s32 $0x0, s18;
	[sflag:s20] =	ssyncset.done $0x0  }
0x9d: {  	[sflag:s20] =	ssyncadd.s32 s1;
	_ =	sdelay $0x1  }
0x9e: {  	s21 =	simm.s32 $0x1B8B  }
0x9f: {  	_ =	swait.ge [sflag:s21], $0x1  }
0xa0: {  	[sflag:s21] =	ssyncset.done $0x0  }
0xa1: {  	s23 =	simm.s32 $0x1B8E;
	s22 =	sld [smem:$0x3FFE];
	[sflag:s21] =	ssyncadd.s32 $0xFFFFFFFF  }
0xa2: {  	s24 =	simm.s32 $execute0_lowered;
	[smem:$0x3FD2] =	sst s23  }
0xa3: {  	s2 =	sshll.u32 s24, $0x1;
	_ =	strace $0x80000049;
	[dreg:$0x1] =	wrdreg $0xFFFFFFFF  }
0xa4: {  	s25 =	simm.s32 $_size_execute0_lowered;
	s0 =	sadd.s32 s0, s2;
	[dreg:$0x0] =	wrdreg $0x0  }
0xa5: {  	s2 =	sshll.u32 s25, $0x1;
	[dreg:$0x2] =	wrdreg s0  }
0xa6: {  	[dreg:$0x3] =	wrdreg s2  }
0xa7: {  	[dreg:$0x4] =	wrdreg $0xC0  }
0xa8: {  	_ =	task [dreg:s4], $0x5FFFF  }
0xa9: {  	[dreg:$0x1] =	wrdreg $0xFFFFFFFF  }
0xaa: {  	[dreg:$0x0] =	wrdreg $0x60  }
0xab: {  	[dreg:$0x2] =	wrdreg s22  }
0xac: {  	[dreg:$0x3] =	wrdreg $0xB7800  }
0xad: {  	[dreg:$0x4] =	wrdreg $0x9  }
0xae: {  	_ =	task.clear_ibuf [dreg:s4], $0x5FFFF;
	_ =	strace $0x90000049  }
0xaf: {  	s26 =	simm.s32 $0x9;
	_ =	strace $0x8000004B  }
0xb0: {  	_ =	swait.ge [sflag:s26], $0x1  }
0xb1: {  	[sflag:s26] =	ssyncadd.s32 $0xFFFFFFFF  }
0xb2: {  	_ =	strace $0x9000004B  }
0xb3: {  	_ =	sfence  }
0xb4: {  	s28 =	sld [smem:$0x0];
	_ =	sdelay $0x1  }
0xb5: {  	s29 =	srdreg.scid  }
0xb6: {  	s30 =	sshll.u32 s29, $0xD;
	s31 =	sshrl.u32 s29, $0x2  }
0xb7: {  	s1 =	sand.u32 $0x1, s29;
	s2 =	sand.u32 $0x4000, s30;
	s0 =	sadd.s32 s31, s28  }
0xb8: {  	s1 =	sor.u32 s2, s1;
	s0 =	sshll.u32 s0, $0x11  }
0xb9: {  	s0 =	sor.u32 s0, s1  }
0xba: {  	s0 =	sadd.s32 $0x8F2B, s0  }
0xbb: {  	[sflag:s0] =	ssyncadd.remote.s32 $0x1  }
0xbc: {  	_ =	sfence.sel $0xFFFF  }
0xbd: {  	[dreg:$0x0] =	wrdreg $0xFFFFFFFF;
	(pc) =	sbr.abs _section_cstart, $3  }
0xbe: {  	[dreg:$0x1] =	wrdreg $0xFFFFFFFF  }
0xbf: {  	_ =	task.clear_ibuf [dreg:s4], $0x2FFFF;
	_ =	strace $0x9FFFFFFF  }
0xc0: {  	(tm) =	ssettm $0x7FFFFFFF  }
0xc1: {  	_ =	shalt  }
tec
execute0_lowered:
.L_overlay_start_1:
0x0: {  	(tag) =	ssettag $0x1  }
0x1: {  	s0 =	rddreg [dreg:$0x0]  }
0x2: {  	s3 =	rddreg [dreg:$0x1];
	s1 =	simm.s32 $0x0  }
0x3: {  	s5 =	simm.s32 $0x3C0;
	[smem:$0x7FF] =	sst s1;
	s4 =	sadd.s32 $0x2EE00, s0  }
0x4: {  	s20 =	sadd.s32 $0x25000, s0;
	s21 =	sadd.s32 $0x1B200, s0;
	s2 =	sadd.s32 $0x7EE00, s0  }
0x5: {  	v0 =	vimm.f32 $0.0e+00;
	s1 =	stileid.u32;
	s0 =	simm.s32 $0x70;
	_ =	strace $0x8000004A  }
.LBB2_1:
0x6: {  	p0 =	sne.s32 s5, $0xCFC0;
	[tilespmem:s0+$0x0] =	vst v0  }
0x7: {  	[tilespmem:s0+$0xFFFFFF90] =	vst v0  }
0x8: {  	[tilespmem:s0+$0xFFFFFFA0] =	vst v0  }
.Ltmp0:
0x9: {  	[tilespmem:s0+$0xFFFFFFB0] =	vst v0;
	(pc) =	sbr.rel @p0 .LBB2_1-.Ltmp0, $4  }
0xa: {  	[tilespmem:s0+$0xFFFFFFC0] =	vst v0  }
0xb: {  	[tilespmem:s0+$0xFFFFFFD0] =	vst v0  }
0xc: {  	[tilespmem:s0+$0xFFFFFFE0] =	vst v0  }
0xd: {  	[tilespmem:s0+$0xFFFFFFF0] =	vst v0;
	s0 =	sshra.s32 s5, $0x2;
	s5 =	sadd.s32 $0x200, s5  }
0xe: {  	[tilespmem:s0+$0x0] =	vst v0  }
0xf: {  	[tilespmem:s0+$0xFFFFFF90] =	vst v0  }
0x10: {  	[tilespmem:s0+$0xFFFFFFA0] =	vst v0  }
0x11: {  	[tilespmem:s0+$0xFFFFFFB0] =	vst v0;
	s5 =	smul.u32 $0x50000, s1  }
0x12: {  	[tilespmem:s0+$0xFFFFFFC0] =	vst v0  }
0x13: {  	[tilespmem:s0+$0xFFFFFFD0] =	vst v0;
	s5 =	sshrl.u32 s5, $0x2  }
0x14: {  	[tilespmem:s0+$0xFFFFFFE0] =	vst v0;
	s22 =	smul.u32 $0x280, s1;
	s5 =	sadd.s32 s5, s3  }
0x15: {  	[tilespmem:s0+$0xFFFFFFF0] =	vst v0;
	s19 =	simm.s32 $0x0;
	s18 =	simm.s32 $0x5;
	[dreg:$0x3] =	wrdreg s5  }
0x16: {  	[spmem:s5] =	stream.linear.scatter [tilespmem:s19], [sflag:$0x5], $0x3400, $0x38;
	[tilespmem:$0x1F780] =	vst v63  }
0x17: {  	s6 =	sor.u32 $0x68, s22;
	_ =	swait.ge [sflag:s18], $0x3400  }
0x18: {  	s7 =	sshll.u32 s6, $0x7;
	[sflag:s18] =	ssyncset.done $0x0  }
0x19: {  	s7 =	sadd.s32 s7, s3;
	[sflag:s18] =	ssyncadd.s32 $0xFFFFCC00  }
0x1a: {  	[spmem:s7] =	stream.linear.scatter [tilespmem:s19], [sflag:$0x5], $0x3400, $0x38;
	[tilespmem:$0x1F780] =	vst v63  }
0x1b: {  	s8 =	sadd.s32 $0xD0, s22;
	_ =	swait.ge [sflag:s18], $0x3400  }
0x1c: {  	s9 =	sshll.u32 s8, $0x7;
	[sflag:s18] =	ssyncset.done $0x0  }
0x1d: {  	s9 =	sadd.s32 s9, s3;
	[sflag:s18] =	ssyncadd.s32 $0xFFFFCC00  }
0x1e: {  	[spmem:s9] =	stream.linear.scatter [tilespmem:s19], [sflag:$0x5], $0x3400, $0x38;
	[tilespmem:$0x1F780] =	vst v63  }
0x1f: {  	s10 =	sadd.s32 $0x138, s22;
	_ =	swait.ge [sflag:s18], $0x3400  }
0x20: {  	s11 =	sshll.u32 s10, $0x7;
	[sflag:s18] =	ssyncset.done $0x0  }
0x21: {  	s11 =	sadd.s32 s11, s3;
	[sflag:s18] =	ssyncadd.s32 $0xFFFFCC00  }
0x22: {  	[spmem:s11] =	stream.linear.scatter [tilespmem:s19], [sflag:$0x5], $0x3400, $0x38;
	[tilespmem:$0x1F780] =	vst v63  }
0x23: {  	s12 =	sadd.s32 $0x1A0, s22;
	_ =	swait.ge [sflag:s18], $0x3400  }
0x24: {  	s13 =	sshll.u32 s12, $0x7;
	[sflag:s18] =	ssyncset.done $0x0  }
0x25: {  	s13 =	sadd.s32 s13, s3;
	[sflag:s18] =	ssyncadd.s32 $0xFFFFCC00  }
0x26: {  	[spmem:s13] =	stream.linear.scatter [tilespmem:s19], [sflag:$0x5], $0x3400, $0x38;
	[tilespmem:$0x1F780] =	vst v63  }
0x27: {  	s14 =	sadd.s32 $0x208, s22;
	_ =	swait.ge [sflag:s18], $0x3400  }
0x28: {  	s15 =	sshll.u32 s14, $0x7;
	[sflag:s18] =	ssyncset.done $0x0  }
0x29: {  	s15 =	sadd.s32 s15, s3;
	[sflag:s18] =	ssyncadd.s32 $0xFFFFCC00  }
0x2a: {  	[spmem:s15] =	stream.linear.scatter [tilespmem:s19], [sflag:$0x5], $0x3400, $0x38;
	[tilespmem:$0x1F780] =	vst v63  }
0x2b: {  	s16 =	sadd.s32 $0x270, s22;
	_ =	swait.ge [sflag:s18], $0x3400  }
0x2c: {  	s0 =	sshll.u32 s16, $0x7;
	[sflag:s18] =	ssyncset.done $0x0  }
0x2d: {  	s17 =	sadd.s32 s0, s3;
	[sflag:s18] =	ssyncadd.s32 $0xFFFFCC00  }
0x2e: {  	[spmem:s17] =	stream.linear.scatter [tilespmem:s19], [sflag:$0x5], $0x800, $0x38;
	[tilespmem:$0x1F780] =	vst v63  }
0x2f: {  	s23 =	smul.u32 $0x4E68, s1;
	_ =	swait.ge [sflag:s18], $0x800  }
0x30: {  	[sflag:s18] =	ssyncset.done $0x0  }
0x31: {  	s0 =	sshrl.u32 s23, $0x3;
	[sflag:s18] =	ssyncadd.s32 $0xFFFFF800  }
0x32: {  	s22 =	simm.s32 $0x6800;
	s20 =	sadd.s32 s20, s0;
	[bflag:$0x0] =	sbarrier.arrive $0xFFFF  }
0x33: {  	[tilespmem:s22], [sflag:$0x5] =	stream.linear.gather [hbm4b:s20+s19], $0x4E68, $0x38;
	[tilespmem:$0x1F780] =	vst v63  }
0x34: {  	_ =	swait.ge [sflag:s18], $0x4E68  }
0x35: {  	[sflag:s18] =	ssyncset.done $0x0  }
0x36: {  	s23 =	smul.u32 $0x9CD, s1;
	s20 =	simm.s32 $0x68;
	[sflag:s18] =	ssyncadd.s32 $0xFFFFB198  }
0x37: {  	[tilespmem:s19], [sflag:$0x1] =	stream.indirect.gather [hbm4b:s4+s20], $0x80, s22, s20, $0xb8;
	[tilespmem:$0x1F780] =	vst v63  }
0x38: {  	s0 =	sadd.s32 s21, s0;
	s25 =	sadd.s32 s23, s21;
	s22 =	simm.s32 $0xB680  }
0x39: {  	[tilespmem:s22], [sflag:$0x3] =	stream.linear.gather [hbm4b:s0+s19], $0x68, $0x38;
	[tilespmem:$0x1F780] =	vst v63  }
0x3a: {  	s24 =	simm.s32 $0x6868;
	s21 =	simm.s32 $0x3400;
	s29 =	sadd.s32 $0xFFFFF640, s25  }
0x3b: {  	[tilespmem:s21], [sflag:$0x2] =	stream.indirect.gather [hbm4b:s4+s20], $0x80, s24, s20, $0xb8;
	[tilespmem:$0x1F780] =	vst v63  }
0x3c: {  	s23 =	simm.s32 $0xB700;
	s26 =	sadd.s32 $0x9CD, s29;
	s24 =	simm.s32 $0x1  }
0x3d: {  	[tilespmem:s23], [sflag:$0x4] =	stream.linear.gather [hbm4b:s26+s19], $0x68, $0x38;
	[tilespmem:$0x1F780] =	vst v63  }
0x3e: {  	_ =	swait.ge [sflag:s24], $0x3400  }
0x3f: {  	[sflag:s24] =	ssyncset.done $0x0  }
0x40: {  	s26 =	simm.s32 $0x3;
	[sflag:s24] =	ssyncadd.s32 $0xFFFFCC00  }
0x41: {  	_ =	swait.ge [sflag:s26], $0x68  }
0x42: {  	[sflag:s26] =	ssyncset.done $0x0  }
0x43: {  	[sflag:s26] =	ssyncadd.s32 $0xFFFFFF98  }
0x44: {  	[spmem:s3] =	stream.indirect.scatter.add.f32 [tilespmem:s19], [sflag:$0x5], $0x80, s22, s20, $0xb8;
	[tilespmem:$0x1F780] =	vst v63  }
0x45: {  	_ =	swait.ge [sflag:s18], $0x3400  }
0x46: {  	[sflag:s18] =	ssyncset.done $0x0  }
0x47: {  	s1 =	simm.s32 $0x68D0;
	[sflag:s18] =	ssyncadd.s32 $0xFFFFCC00  }
0x48: {  	[tilespmem:s19], [sflag:$0x1] =	stream.indirect.gather [hbm4b:s4+s20], $0x80, s1, s20, $0xb8;
	[tilespmem:$0x1F780] =	vst v63  }
0x49: {  	s28 =	simm.s32 $0x2;
	s5 =	sadd.s32 $0x9DA, s29  }
0x4a: {  	[tilespmem:s22], [sflag:$0x3] =	stream.linear.gather [hbm4b:s5+s19], $0x68, $0x38;
	[tilespmem:$0x1F780] =	vst v63  }
0x4b: {  	_ =	swait.ge [sflag:s28], $0x3400  }
0x4c: {  	[sflag:s28] =	ssyncset.done $0x0  }
0x4d: {  	s29 =	simm.s32 $0x4;
	[sflag:s28] =	ssyncadd.s32 $0xFFFFCC00  }
0x4e: {  	_ =	swait.ge [sflag:s29], $0x68  }
0x4f: {  	[sflag:s29] =	ssyncset.done $0x0  }
0x50: {  	[sflag:s29] =	ssyncadd.s32 $0xFFFFFF98  }
0x51: {  	[spmem:s3] =	stream.indirect.scatter.add.f32 [tilespmem:s21], [sflag:$0x5], $0x80, s23, s20, $0xb8;
	[tilespmem:$0x1F780] =	vst v63  }
0x52: {  	s31 =	simm.s32 $0xFFFFF65A;
	_ =	swait.ge [sflag:s18], $0x3400  }
0x53: {  	s30 =	simm.s32 $0x69A0;
	s0 =	simm.s32 $0xFFFFF674;
	[sflag:s18] =	ssyncset.done $0x0  }
.LBB2_3:
0x54: {  	s1 =	sadd.s32 $0xFFFFFF98, s30  }
0x55: {  	s5 =	sadd.s32 s31, s25;
	[sflag:s18] =	ssyncadd.s32 $0xFFFFCC00;
	s31 =	smov.u32 s0  }
0x56: {  	[tilespmem:s21], [sflag:$0x2] =	stream.indirect.gather [hbm4b:s4+s20], $0x80, s1, s20, $0xb8;
	[tilespmem:$0x1F780] =	vst v63  }
0x57: {  	p0 =	sne.s32 s0, $0xFFFFFFE6;
	s0 =	sadd.s32 $0x1A, s0;
	s1 =	sadd.s32 $0x9CD, s5  }
0x58: {  	[tilespmem:s23], [sflag:$0x4] =	stream.linear.gather [hbm4b:s1+s19], $0x68, $0x38;
	[tilespmem:$0x1F780] =	vst v63  }
0x59: {  	_ =	swait.ge [sflag:s24], $0x3400  }
0x5a: {  	[sflag:s24] =	ssyncset.done $0x0  }
0x5b: {  	[sflag:s24] =	ssyncadd.s32 $0xFFFFCC00  }
0x5c: {  	_ =	swait.ge [sflag:s26], $0x68  }
0x5d: {  	[sflag:s26] =	ssyncset.done $0x0  }
0x5e: {  	[sflag:s26] =	ssyncadd.s32 $0xFFFFFF98  }
0x5f: {  	[spmem:s3] =	stream.indirect.scatter.add.f32 [tilespmem:s19], [sflag:$0x5], $0x80, s22, s20, $0xb8;
	[tilespmem:$0x1F780] =	vst v63  }
0x60: {  	_ =	swait.ge [sflag:s18], $0x3400  }
0x61: {  	[sflag:s18] =	ssyncset.done $0x0  }
0x62: {  	[sflag:s18] =	ssyncadd.s32 $0xFFFFCC00  }
0x63: {  	[tilespmem:s19], [sflag:$0x1] =	stream.indirect.gather [hbm4b:s4+s20], $0x80, s30, s20, $0xb8;
	[tilespmem:$0x1F780] =	vst v63  }
0x64: {  	s1 =	sadd.s32 $0x9DA, s5  }
0x65: {  	[tilespmem:s22], [sflag:$0x3] =	stream.linear.gather [hbm4b:s1+s19], $0x68, $0x38;
	[tilespmem:$0x1F780] =	vst v63  }
0x66: {  	_ =	swait.ge [sflag:s28], $0x3400  }
0x67: {  	[sflag:s28] =	ssyncset.done $0x0  }
0x68: {  	[sflag:s28] =	ssyncadd.s32 $0xFFFFCC00  }
0x69: {  	_ =	swait.ge [sflag:s29], $0x68  }
.Ltmp1:
0x6a: {  	[sflag:s29] =	ssyncset.done $0x0;
	(pc) =	sbr.rel @p0 .LBB2_3-.Ltmp1, $4  }
0x6b: {  	[sflag:s29] =	ssyncadd.s32 $0xFFFFFF98  }
0x6c: {  	[spmem:s3] =	stream.indirect.scatter.add.f32 [tilespmem:s21], [sflag:$0x5], $0x80, s23, s20, $0xb8;
	[tilespmem:$0x1F780] =	vst v63  }
0x6d: {  	_ =	swait.ge [sflag:s18], $0x3400  }
0x6e: {  	s30 =	sadd.s32 $0xD0, s30;
	[sflag:s18] =	ssyncset.done $0x0  }
0x6f: {  	s0 =	sadd.s32 s31, s25;
	[sflag:s18] =	ssyncadd.s32 $0xFFFFCC00;
	s1 =	sadd.s32 $0xFFFFFF98, s30  }
0x70: {  	[tilespmem:s21], [sflag:$0x2] =	stream.indirect.gather [hbm4b:s4+s20], $0x80, s1, s20, $0xb8;
	[tilespmem:$0x1F780] =	vst v63  }
0x71: {  	s25 =	sadd.s32 $0x9CD, s0  }
0x72: {  	[tilespmem:s23], [sflag:$0x4] =	stream.linear.gather [hbm4b:s25+s19], $0x68, $0x38;
	[tilespmem:$0x1F780] =	vst v63  }
0x73: {  	_ =	swait.ge [sflag:s24], $0x3400  }
0x74: {  	[sflag:s24] =	ssyncset.done $0x0  }
0x75: {  	[sflag:s24] =	ssyncadd.s32 $0xFFFFCC00  }
0x76: {  	_ =	swait.ge [sflag:s26], $0x68  }
0x77: {  	[sflag:s26] =	ssyncset.done $0x0  }
0x78: {  	[sflag:s26] =	ssyncadd.s32 $0xFFFFFF98  }
0x79: {  	[spmem:s3] =	stream.indirect.scatter.add.f32 [tilespmem:s19], [sflag:$0x5], $0x80, s22, s20, $0xb8;
	[tilespmem:$0x1F780] =	vst v63  }
0x7a: {  	_ =	swait.ge [sflag:s18], $0x3400  }
0x7b: {  	[sflag:s18] =	ssyncset.done $0x0  }
0x7c: {  	[sflag:s18] =	ssyncadd.s32 $0xFFFFCC00  }
0x7d: {  	[tilespmem:s19], [sflag:$0x1] =	stream.indirect.gather [hbm4b:s4+s20], $0x80, s30, s20, $0xb8;
	[tilespmem:$0x1F780] =	vst v63  }
0x7e: {  	s0 =	sadd.s32 $0x9DA, s0  }
0x7f: {  	[tilespmem:s22], [sflag:$0x3] =	stream.linear.gather [hbm4b:s0+s19], $0x68, $0x38;
	[tilespmem:$0x1F780] =	vst v63  }
0x80: {  	_ =	swait.ge [sflag:s28], $0x3400  }
0x81: {  	[sflag:s28] =	ssyncset.done $0x0  }
0x82: {  	[sflag:s28] =	ssyncadd.s32 $0xFFFFCC00  }
0x83: {  	_ =	swait.ge [sflag:s29], $0x68  }
0x84: {  	[sflag:s29] =	ssyncset.done $0x0  }
0x85: {  	[sflag:s29] =	ssyncadd.s32 $0xFFFFFF98  }
0x86: {  	[spmem:s3] =	stream.indirect.scatter.add.f32 [tilespmem:s21], [sflag:$0x5], $0x80, s23, s20, $0xb8;
	[tilespmem:$0x1F780] =	vst v63  }
0x87: {  	_ =	swait.ge [sflag:s18], $0x3400  }
0x88: {  	[sflag:s18] =	ssyncset.done $0x0  }
0x89: {  	s26 =	simm.s32 $0x1;
	[sflag:s18] =	ssyncadd.s32 $0xFFFFCC00  }
0x8a: {  	_ =	swait.ge [sflag:s26], $0x3400  }
0x8b: {  	[sflag:s26] =	ssyncset.done $0x0  }
0x8c: {  	s28 =	simm.s32 $0x3;
	[sflag:s26] =	ssyncadd.s32 $0xFFFFCC00  }
0x8d: {  	_ =	swait.ge [sflag:s28], $0x68  }
0x8e: {  	s31 =	simm.s32 $0x0;
	s30 =	simm.s32 $0xB680;
	[sflag:s28] =	ssyncset.done $0x0  }
0x8f: {  	s0 =	simm.s32 $0x5;
	s29 =	simm.s32 $0x68;
	[sflag:s28] =	ssyncadd.s32 $0xFFFFFF98  }
0x90: {  	[spmem:s3] =	stream.indirect.scatter.add.f32 [tilespmem:s31], [sflag:$0x5], $0x80, s30, s29, $0xb8;
	[tilespmem:$0x1F780] =	vst v63  }
0x91: {  	_ =	swait.ge [sflag:s0], $0x3400  }
0x92: {  	[sflag:s0] =	ssyncset.done $0x0  }
0x93: {  	s5 =	stileid.u32;
	[sflag:s0] =	ssyncadd.s32 $0xFFFFCC00  }
0x94: {  	s3 =	smul.u32 $0x2800, s5;
	[bflag:$0x0] =	sbarrier.arrive $0xFFFF  }
0x95: {  	s4 =	sshll.u32 s5, $0x6;
	s18 =	rddreg [dreg:$0x3]  }
0x96: {  	s1 =	sadd.s32 s2, s3;
	s3 =	sor.u32 $0x1C05, s4;
	s4 =	sshrl.u32 s18, $0x3  }
0x97: {  	[hbm:s1], [sflag:s3] =	dma.local [spmem:s4], $0x680  }
0x98: {  	_ =	swait.ge [sflag:s0], $0x680  }
0x99: {  	s19 =	sshll.u32 s6, $0x4;
	[sflag:s0] =	ssyncset.done $0x0  }
0x9a: {  	s20 =	sshrl.u32 s7, $0x3;
	s1 =	sadd.s32 s2, s19;
	[sflag:s0] =	ssyncadd.s32 $0xFFFFF980  }
0x9b: {  	[hbm:s1], [sflag:s3] =	dma.local [spmem:s20], $0x680  }
0x9c: {  	_ =	swait.ge [sflag:s0], $0x680  }
0x9d: {  	s21 =	sshll.u32 s8, $0x4;
	[sflag:s0] =	ssyncset.done $0x0  }
0x9e: {  	s22 =	sshrl.u32 s9, $0x3;
	s1 =	sadd.s32 s2, s21;
	[sflag:s0] =	ssyncadd.s32 $0xFFFFF980  }
0x9f: {  	[hbm:s1], [sflag:s3] =	dma.local [spmem:s22], $0x680  }
0xa0: {  	_ =	swait.ge [sflag:s0], $0x680  }
0xa1: {  	s23 =	sshll.u32 s10, $0x4;
	[sflag:s0] =	ssyncset.done $0x0  }
0xa2: {  	s24 =	sshrl.u32 s11, $0x3;
	s1 =	sadd.s32 s2, s23;
	[sflag:s0] =	ssyncadd.s32 $0xFFFFF980  }
0xa3: {  	[hbm:s1], [sflag:s3] =	dma.local [spmem:s24], $0x680  }
0xa4: {  	_ =	swait.ge [sflag:s0], $0x680  }
0xa5: {  	s25 =	sshll.u32 s12, $0x4;
	[sflag:s0] =	ssyncset.done $0x0  }
0xa6: {  	s26 =	sshrl.u32 s13, $0x3;
	s1 =	sadd.s32 s2, s25;
	[sflag:s0] =	ssyncadd.s32 $0xFFFFF980  }
0xa7: {  	[hbm:s1], [sflag:s3] =	dma.local [spmem:s26], $0x680  }
0xa8: {  	_ =	swait.ge [sflag:s0], $0x680  }
0xa9: {  	s28 =	sshll.u32 s14, $0x4;
	[sflag:s0] =	ssyncset.done $0x0  }
0xaa: {  	s29 =	sshrl.u32 s15, $0x3;
	s1 =	sadd.s32 s2, s28;
	[sflag:s0] =	ssyncadd.s32 $0xFFFFF980  }
0xab: {  	[hbm:s1], [sflag:s3] =	dma.local [spmem:s29], $0x680  }
0xac: {  	_ =	swait.ge [sflag:s0], $0x680  }
0xad: {  	s30 =	sshll.u32 s16, $0x4;
	[sflag:s0] =	ssyncset.done $0x0  }
0xae: {  	s31 =	sshrl.u32 s17, $0x3;
	s1 =	sadd.s32 s2, s30;
	[sflag:s0] =	ssyncadd.s32 $0xFFFFF980  }
0xaf: {  	[hbm:s1], [sflag:s3] =	dma.local [spmem:s31], $0x100  }
0xb0: {  	_ =	swait.ge [sflag:s0], $0x100  }
0xb1: {  	[sflag:s0] =	ssyncset.done $0x0  }
0xb2: {  	[sflag:s0] =	ssyncadd.s32 $0xFFFFFF00  }
0xb3: {  	_ =	sfence.sel $0x180000  }
0xb4: {  	[bflag:$0x0] =	sbarrier.arrive $0xFFFF  }
0xb5: {  	_ =	strace $0x9000004A  }
0xb6: {  	[bflag:$0x2] =	sbarrier.arrive $0xFFFF  }
0xb7: {  	p0 =	sne.s32 s5, $0x0;
	s0 =	rddreg [dreg:$0x2]  }
0xb8: {  	s0 =	sadd.s32 @!p0 $0x100000, s0  }
0xb9: {  	[sflag:s0] =	ssyncadd.tile.s32 @!p0 $0x1;
	_ =	shalt  }
.Lfunc_end2:
_tile_overlayer_lowered:
.L_overlay_start_2:
0xba: {  	(tag) =	ssettag $0x2  }
0xbb: {  	s0 =	rddreg [dreg:$0x0];
	s2 =	stileid.u32  }
0xbc: {  	s1 =	rddreg [dreg:$0x1];
	p0 =	sne.s32 s2, $0x0  }
0xbd: {  	s3 =	rddreg [dreg:$0x2];
	[bflag:$0x3] =	sbarrier.arrive $0xFFFF;
	s2 =	simm.s32 @!p0 $0x1C05  }
0xbe: {  	[timem:s3], [sflag:s2] =	dma.local @!p0 [hbm:s0], s1  }
0xbf: {  	s0 =	simm.s32 @!p0 $0x5  }
0xc0: {  	_ =	swait.ge @!p0 [sflag:s0], s1  }
0xc1: {  	s1 =	ssub.s32 @!p0 $0x0, s1;
	[sflag:s0] =	ssyncset.done @!p0 $0x0  }
0xc2: {  	[sflag:s0] =	ssyncadd.s32 @!p0 s1  }
0xc3: {  	[bflag:$0x3] =	sbarrier.arrive $0xFFFF  }
0xc4: {  	_ =	shalt  }

// kernel: kernel.15.cloned.1.call-start
scs
__scs_entry_jumppad:
0x0: {  	(pc) =	sbr.rel $0x88, $3  }
0x1: {  	(tag) =	ssettag $0x0;
	lr =	simm.s32 $0x1  }
0x2: {  	[smem:$0x3F9B] =	sst lr;
	_ =	strace $0xD0000000  }
0x3: {  	_ = 	snop  }
0x4: {  	_ = 	snop  }
0x5: {  	_ = 	snop  }
0x6: {  	_ = 	snop  }
0x7: {  	_ = 	snop  }
__scs_overlays_trampoline_lowered:
0x8: {  	[smem:$0x3FAA] =	sst s0  }
0x9: {  	[smem:$0x3FAB] =	sst s1  }
0xa: {  	[smem:$0x3FAC] =	sst s2  }
0xb: {  	[smem:$0x3FAD] =	sst s3  }
0xc: {  	[smem:$0x3FAE] =	sst s4  }
0xd: {  	[smem:$0x3FAF] =	sst s5  }
0xe: {  	[smem:$0x3FB0] =	sst s6  }
0xf: {  	[smem:$0x3FB1] =	sst s7  }
0x10: {  	[smem:$0x3FB2] =	sst s8  }
0x11: {  	[smem:$0x3FB3] =	sst s9;
	s0 =	simm.s32 @!p0 $0x0  }
0x12: {  	s1 =	sld [smem:$0x3F99];
	s0 =	simm.s32 @p0 $0x1  }
0x13: {  	[smem:$0x3FB4] =	sst s0;
	s0 =	simm.s32 @!p1 $0x0  }
0x14: {  	s2 =	sld [smem:$0x3F98];
	s0 =	simm.s32 @p1 $0x1  }
0x15: {  	[smem:$0x3FB5] =	sst s0;
	s0 =	simm.s32 @!p2 $0x0  }
0x16: {  	s3 =	sld [smem:$0x3FDB];
	s0 =	simm.s32 @p2 $0x1  }
0x17: {  	s4 =	simm.s32 $0x1BF5;
	[smem:$0x3FB7] =	sst s0  }
0x18: {  	s0 =	sld [smem:$0x3F9A];
	_ =	swait.ge [sflag:s4], $0x0  }
0x19: {  	s7 =	sld [smem:$0x3F9B]  }
0x1a: {  	s8 =	sadd.s32 $0xFFFFE003, lr  }
0x1b: {  	s9 =	sadd.s32 $0xFFFFFEF7, lr;
	s5 =	simm.s32 $0xFFFFFFFF;
	p2 =	slt.u32 s8, $0xFFFFF086  }
0x1c: {  	p1 =	slt.u32 s9, $0xF7A;
	s5 =	simm.s32 @!p2 $0x0  }
0x1d: {  	s5 =	simm.s32 @p1 $0x1;
	p0 =	seq.s32 s7, s2  }
0x1e: {  	s7 =	smul.u32 @!p0 $0xF7A, s2;
	p2 =	seq.s32 @!p0 s5, $0x0  }
0x1f: {  	s9 =	smul.u32 $0xF7A, s1;
	s8 =	simm.s32 @!p0 $0x1BF5;
	p2 =	por !p2, p0  }
0x20: {  	[sflag:s8] =	ssyncset.s32 @!p0 $0xFFFFF086;
	s6 =	sadd.s32 @!p0 s3, s7;
	s7 =	simm.s32 @!p0 $0x108  }
0x21: {  	s3 =	sadd.s32 s3, s9;
	s6 =	sadd.s32 @!p0 $0x88, s6;
	s7 =	simm.s32 @p2 $0x1082  }
0x22: {  	[simem:s7], [sflag:s8] =	dma.local @!p0 [hbm:s6], $0xF7A  }
0x23: {  	s9 =	sor.u32 $0xD0000000, s2;
	s6 =	simm.s32 $0x108;
	_ =	swait.ge @!p0 [sflag:s8], $0x0  }
0x24: {  	s3 =	sadd.s32 $0x88, s3;
	s6 =	simm.s32 @!p1 $0x1082;
	[sflag:s4] =	ssyncset.s32 $0xFFFFF086  }
0x25: {  	[simem:s6], [sflag:s4] =	dma.local [hbm:s3], $0xF7A  }
0x26: {  	[smem:$0x3F9B] =	sst s1;
	(tag) =	ssettag s2;
	_ =	strace s9  }
0x27: {  	s1 =	sld [smem:$0x3FAB]  }
0x28: {  	s2 =	sld [smem:$0x3FAC]  }
0x29: {  	s4 =	sld [smem:$0x3FAE]  }
0x2a: {  	p0 =	seq.s32 s5, $0x0;
	s5 =	sld [smem:$0x3FAF]  }
0x2b: {  	s6 =	sld [smem:$0x3FB0]  }
0x2c: {  	s7 =	sld [smem:$0x3FB1]  }
0x2d: {  	s3 =	simm.s32 $0x108;
	s8 =	sld [smem:$0x3FB2]  }
0x2e: {  	s3 =	simm.s32 @!p0 $0x1082;
	s9 =	sld [smem:$0x3FB3]  }
0x2f: {  	lr =	sadd.s32 s0, s3;
	s0 =	sld [smem:$0x3FAA]  }
0x30: {  	s3 =	sld [smem:$0x3FAD]  }
0x31: {  	[smem:$0x3FB6] =	sst s10  }
0x32: {  	s10 =	sld [smem:$0x3FB4];
	_ =	sdelay $0x3  }
0x33: {  	p0 =	seq.s32 s10, $0x1;
	s10 =	sld [smem:$0x3FB6];
	_ =	sdelay $0x3  }
0x34: {  	[smem:$0x3FB6] =	sst s10  }
0x35: {  	s10 =	sld [smem:$0x3FB5];
	_ =	sdelay $0x3  }
0x36: {  	p1 =	seq.s32 s10, $0x1;
	s10 =	sld [smem:$0x3FB6];
	_ =	sdelay $0x3  }
0x37: {  	[smem:$0x3FB6] =	sst s10  }
0x38: {  	s10 =	sld [smem:$0x3FB7]  }
0x39: {  	_ = 	snop;
	(pc) =	sbr.ind lr, $3  }
0x3a: {  	_ = 	snop  }
0x3b: {  	_ = 	snop  }
0x3c: {  	p2 =	seq.s32 s10, $0x1;
	s10 =	sld [smem:$0x3FB6]  }
0x3d: {  	_ =	shalt  }
0x3e: {  	_ =	shalt  }
0x3f: {  	_ =	shalt  }
0x40: {  	_ =	shalt  }
0x41: {  	_ =	shalt  }
0x42: {  	_ =	shalt  }
0x43: {  	_ =	shalt  }
0x44: {  	_ =	shalt  }
0x45: {  	_ =	shalt  }
0x46: {  	_ =	shalt  }
0x47: {  	_ =	shalt  }
0x48: {  	_ =	shalt  }
0x49: {  	_ =	shalt  }
0x4a: {  	_ =	shalt  }
0x4b: {  	_ =	shalt  }
0x4c: {  	_ =	shalt  }
0x4d: {  	_ =	shalt  }
0x4e: {  	_ =	shalt  }
0x4f: {  	_ =	shalt  }
0x50: {  	_ =	shalt  }
0x51: {  	_ =	shalt  }
0x52: {  	_ =	shalt  }
0x53: {  	_ =	shalt  }
0x54: {  	_ =	shalt  }
0x55: {  	_ =	shalt  }
0x56: {  	_ =	shalt  }
0x57: {  	_ =	shalt  }
0x58: {  	_ =	shalt  }
0x59: {  	_ =	shalt  }
0x5a: {  	_ =	shalt  }
0x5b: {  	_ =	shalt  }
0x5c: {  	_ =	shalt  }
0x5d: {  	_ =	shalt  }
0x5e: {  	_ =	shalt  }
0x5f: {  	_ =	shalt  }
0x60: {  	_ =	shalt  }
0x61: {  	_ =	shalt  }
0x62: {  	_ =	shalt  }
0x63: {  	_ =	shalt  }
0x64: {  	_ =	shalt  }
0x65: {  	_ =	shalt  }
0x66: {  	_ =	shalt  }
0x67: {  	_ =	shalt  }
0x68: {  	_ =	shalt  }
0x69: {  	_ =	shalt  }
0x6a: {  	_ =	shalt  }
0x6b: {  	_ =	shalt  }
0x6c: {  	_ =	shalt  }
0x6d: {  	_ =	shalt  }
0x6e: {  	_ =	shalt  }
0x6f: {  	_ =	shalt  }
0x70: {  	_ =	shalt  }
0x71: {  	_ =	shalt  }
0x72: {  	_ =	shalt  }
0x73: {  	_ =	shalt  }
0x74: {  	_ =	shalt  }
0x75: {  	_ =	shalt  }
0x76: {  	_ =	shalt  }
0x77: {  	_ =	shalt  }
0x78: {  	_ =	shalt  }
0x79: {  	_ =	shalt  }
0x7a: {  	_ =	shalt  }
0x7b: {  	_ =	shalt  }
0x7c: {  	_ =	shalt  }
0x7d: {  	_ =	shalt  }
0x7e: {  	_ =	shalt  }
0x7f: {  	_ =	shalt  }
0x80: {  	_ =	shalt  }
0x81: {  	_ =	shalt  }
0x82: {  	_ =	shalt  }
0x83: {  	_ =	shalt  }
0x84: {  	_ =	shalt  }
0x85: {  	_ =	shalt  }
0x86: {  	_ =	shalt  }
0x87: {  	_ =	shalt  }
.Lfunc_end0:
.L_simem_size_0:
called_computation.2_lowered:
.L_overlay_start_0:
0x88: {  	s0 =	sld [smem:$0x3FD9]  }
0x89: {  	s1 =	sld [smem:$0x3FFE];
	_ =	sdelay $0x3  }
0x8a: {  	s0 =	sadd.s32 s1, s0  }
0x8b: {  	[smem:$0x3FC2] =	sst s0  }
0x8c: {  	_ = 	snop  }
0x8d: {  	(tm) =	ssettm $0x1  }
0x8e: {  	s15 =	sld [smem:$0x3FFB];
	_ =	sdelay $0x3  }
0x8f: {  	_ =	strace s15  }
0x90: {  	s0 =	sld [smem:$0x3FFC];
	_ =	sdelay $0x3  }
0x91: {  	_ =	strace s0  }
0x92: {  	s0 =	sld [smem:$0x3FFD];
	_ =	sdelay $0x3  }
0x93: {  	_ =	strace s0  }
0x94: {  	_ =	strace $0x8FFFFFFF  }
0x95: {  	s16 =	sld [smem:$0x3FDB];
	_ =	sdelay $0x1  }
0x96: {  	s17 =	simm.s32 $_scs_section_size  }
0x97: {  	s2 =	simm.s32 $_size__tile_overlayer_lowered;
	s3 =	simm.s32 $_tile_overlayer_lowered  }
0x98: {  	s20 =	simm.s32 $0x1BFF;
	s19 =	sshll.u32 s3, $0x1;
	s0 =	sadd.s32 s17, s16  }
0x99: {  	s4 =	simm.s32 $0x0;
	s18 =	sshll.u32 s2, $0x1;
	s2 =	sadd.s32 s19, s0  }
0x9a: {  	[timem:s4], [sflag:s20] =	dma.local [hbm:s2], s18  }
0x9b: {  	_ =	swait.ge [sflag:s20], s18  }
0x9c: {  	s1 =	ssub.s32 $0x0, s18;
	[sflag:s20] =	ssyncset.done $0x0  }
0x9d: {  	[sflag:s20] =	ssyncadd.s32 s1;
	_ =	sdelay $0x1  }
0x9e: {  	s21 =	simm.s32 $0x1B8B  }
0x9f: {  	_ =	swait.ge [sflag:s21], $0x1  }
0xa0: {  	[sflag:s21] =	ssyncset.done $0x0  }
0xa1: {  	s23 =	simm.s32 $0x1B8E;
	s22 =	sld [smem:$0x3FFE];
	[sflag:s21] =	ssyncadd.s32 $0xFFFFFFFF  }
0xa2: {  	s24 =	simm.s32 $execute0_lowered;
	[smem:$0x3FD2] =	sst s23  }
0xa3: {  	s2 =	sshll.u32 s24, $0x1;
	_ =	strace $0x8000004C;
	[dreg:$0x1] =	wrdreg $0xFFFFFFFF  }
0xa4: {  	s25 =	simm.s32 $_size_execute0_lowered;
	s0 =	sadd.s32 s0, s2;
	[dreg:$0x0] =	wrdreg $0x0  }
0xa5: {  	s2 =	sshll.u32 s25, $0x1;
	[dreg:$0x2] =	wrdreg s0  }
0xa6: {  	[dreg:$0x3] =	wrdreg s2  }
0xa7: {  	[dreg:$0x4] =	wrdreg $0xC0  }
0xa8: {  	_ =	task [dreg:s4], $0x5FFFF  }
0xa9: {  	[dreg:$0x1] =	wrdreg $0xFFFFFFFF  }
0xaa: {  	[dreg:$0x0] =	wrdreg $0x60  }
0xab: {  	[dreg:$0x2] =	wrdreg s22  }
0xac: {  	[dreg:$0x3] =	wrdreg $0x9  }
0xad: {  	_ =	task.clear_ibuf [dreg:s4], $0x4FFFF;
	_ =	strace $0x9000004C  }
0xae: {  	s26 =	simm.s32 $0x9;
	_ =	strace $0x8000004E  }
0xaf: {  	_ =	swait.ge [sflag:s26], $0x1  }
0xb0: {  	[sflag:s26] =	ssyncadd.s32 $0xFFFFFFFF  }
0xb1: {  	_ =	strace $0x9000004E  }
0xb2: {  	_ =	sfence  }
0xb3: {  	s28 =	sld [smem:$0x0];
	_ =	sdelay $0x1  }
0xb4: {  	s29 =	srdreg.scid  }
0xb5: {  	s30 =	sshll.u32 s29, $0xD;
	s31 =	sshrl.u32 s29, $0x2  }
0xb6: {  	s1 =	sand.u32 $0x1, s29;
	s2 =	sand.u32 $0x4000, s30;
	s0 =	sadd.s32 s31, s28  }
0xb7: {  	s1 =	sor.u32 s2, s1;
	s0 =	sshll.u32 s0, $0x11  }
0xb8: {  	s0 =	sor.u32 s0, s1  }
0xb9: {  	s0 =	sadd.s32 $0x8F2B, s0  }
0xba: {  	[sflag:s0] =	ssyncadd.remote.s32 $0x1  }
0xbb: {  	_ =	sfence.sel $0xFFFF  }
0xbc: {  	[dreg:$0x0] =	wrdreg $0xFFFFFFFF;
	(pc) =	sbr.abs _section_cstart, $3  }
0xbd: {  	[dreg:$0x1] =	wrdreg $0xFFFFFFFF  }
0xbe: {  	_ =	task.clear_ibuf [dreg:s4], $0x2FFFF;
	_ =	strace $0x9FFFFFFF  }
0xbf: {  	(tm) =	ssettm $0x7FFFFFFF  }
tec
execute0_lowered:
.L_overlay_start_1:
0x0: {  	(tag) =	ssettag $0x1  }
0x1: {  	s2 =	rddreg [dreg:$0x0]  }
0x2: {  	s0 =	rddreg [dreg:$0x1];
	s3 =	simm.s32 $0x0  }
0x3: {  	s1 =	stileid.u32;
	s5 =	simm.s32 $0x1;
	[smem:$0x7FF] =	sst s3  }
0x4: {  	s4 =	sadd.s32 $0x16200, s2;
	s30 =	smul.u32 $0x9C4, s1;
	_ =	strace $0x8000004D  }
0x5: {  	[tilespmem:s3], [sflag:$0x1] =	stream.linear.gather [hbm4b:s4+s3], $0x2800, $0x38;
	[tilespmem:$0xED00] =	vst v63  }
0x6: {  	_ =	swait.ge [sflag:s5], $0x2800  }
0x7: {  	s4 =	sadd.s32 s30, s2;
	[sflag:s5] =	ssyncset.done $0x0  }
0x8: {  	s7 =	simm.s32 $0x9E80;
	s6 =	sadd.s32 $0xC400, s4;
	[sflag:s5] =	ssyncadd.s32 $0xFFFFD800  }
0x9: {  	[tilespmem:s7], [sflag:$0x1] =	stream.linear.gather [hbm4b:s6+s3], $0x4E20, $0x38;
	[tilespmem:$0xED00] =	vst v63  }
0xa: {  	_ =	swait.ge [sflag:s5], $0x4E20  }
0xb: {  	[sflag:s5] =	ssyncset.done $0x0  }
0xc: {  	s31 =	simm.s32 $0x5000;
	s4 =	sadd.s32 $0x2600, s4;
	[sflag:s5] =	ssyncadd.s32 $0xFFFFB1E0  }
0xd: {  	[tilespmem:s31], [sflag:$0x1] =	stream.linear.gather [hbm4b:s4+s3], $0x4E20, $0x38;
	[tilespmem:$0xED00] =	vst v63  }
0xe: {  	_ =	swait.ge [sflag:s5], $0x4E20  }
0xf: {  	[sflag:s5] =	ssyncset.done $0x0  }
0x10: {  	v0 =	vimm.f32 $0.0e+00;
	s2 =	sadd.s32 $0x16800, s2;
	s4 =	simm.s32 $0x0;
	[sflag:s5] =	ssyncadd.s32 $0xFFFFB1E0  }
.LBB2_1:
0x11: {  	p0 =	sne.s32 s4, $0x9FC0  }
.Ltmp0:
0x12: {  	_ = 	snop;
	(pc) =	sbr.rel @p0 .LBB2_1-.Ltmp0, $3  }
0x13: {  	_ =	sdelay $0x1  }
0x14: {  	s5 =	sshra.s32 s4, $0x2  }
0x15: {  	s4 =	sadd.s32 $0x40, s4;
	[tilespmem:s5+$0x2800] =	vst v0  }
.Ltmp1:
0x16: {  	(pc) =	sbr.rel .LBB2_3-.Ltmp1, $2  }
0x17: {  	_ =	sdelay $0x2  }
0x18: {  	s4 =	simm.s32 $0x0;
	s5 =	simm.s32 $0x2800;
	v0 =	vimm.f32 $1.000000000e+00;
	v1 =	vimm.f32 $0.0e+00  }
.LBB2_6:
0x19: {  	s3 =	sadd.s32 $0x1, s3  }
0x1a: {  	p0 =	sne.s32 s3, $0x138  }
.Ltmp2:
0x1b: {  	_ = 	snop;
	(pc) =	sbr.rel @!p0 .LBB2_7-.Ltmp2, $1  }
0x1c: {  	_ =	sdelay $0x3  }
.LBB2_3:
0x1d: {  	s6 =	sshll.u32 s3, $0x6  }
0x1e: {  	v2 =	vld [tilespmem:s6+$0x5000]  }
0x1f: {  	v3 =	vld [tilespmem:s6+$0x5010]  }
0x20: {  	v4 =	vld [tilespmem:s6+$0x5020]  }
0x21: {  	v5 =	vld [tilespmem:s6+$0x5030];
	_ =	sdelay $0x1  }
0x22: {  	(xrf1) =	vunique.msk.u32 $0xffff, v2  }
0x23: {  	(xrf1) =	vunique.msk.u32 $0xffff, v3  }
0x24: {  	(xrf1) =	vunique.msk.u32 $0xffff, v4  }
0x25: {  	(xrf1) =	vunique.msk.u32 $0xffff, v5;
	_ =	sdelay $0xa  }
0x26: {  	_, v6, vm0 =	vpop (xrf1)  }
0x27: {  	_, v6, vm1 =	vpop (xrf1)  }
0x28: {  	_, v6, vm2 =	vpop (xrf1)  }
0x29: {  	_, v6, vm3 =	vpop (xrf1);
	vm4 =	vmand vm1, vm2  }
0x2a: {  	vm4 =	vmand vm4, vm3  }
0x2b: {  	vm4 =	vmand vm0, vm4  }
0x2c: {  	v6 =	vsel vm4, $0x0, v0  }
0x2d: {  	(xrf0) =	vmax.scan.msk.f32 $0xffff, v6;
	_ =	sdelay $0x5  }
0x2e: {  	v6, _, _ =	vpop (xrf0)  }
0x2f: {  	(v2sf) =	vpush v6, $0xF;
	_ =	sdelay $0x4  }
0x30: {  	v6 =	vld [tilespmem:s6+$0x9E80]  }
0x31: {  	v7 =	vld [tilespmem:s6+$0x9E90]  }
0x32: {  	v8 =	vld [tilespmem:s6+$0x9EA0]  }
0x33: {  	v9 =	vld [tilespmem:s6+$0x9EB0];
	_ =	sdelay $0x4  }
0x34: {  	v6 =	vld.idx.msk [tilespmem:v6+s4+$0x0], $0xffff  }
0x35: {  	v7 =	vld.idx.msk [tilespmem:v7+s4+$0x0], $0xffff  }
0x36: {  	v8 =	vld.idx.msk [tilespmem:v8+s4+$0x0], $0xffff;
	s31 =	spop (v2sf)  }
0x37: {  	v9 =	vld.idx.msk [tilespmem:v9+s4+$0x0], $0xffff;
	p0 =	sgt.f32 s31, $0.0e+00  }
.Ltmp3:
0x38: {  	_ = 	snop;
	(pc) =	sbr.rel @!p0 .LBB2_6-.Ltmp3, $4  }
0x39: {  	[tilespmem:v2+s5+$0x0] =	vst.idx.add.f32.msk vm0, v6  }
0x3a: {  	[tilespmem:v3+s5+$0x0] =	vst.idx.add.f32.msk vm1, v7  }
0x3b: {  	[tilespmem:v4+s5+$0x0] =	vst.idx.add.f32.msk vm2, v8  }
0x3c: {  	[tilespmem:v5+s5+$0x0] =	vst.idx.add.f32.msk vm3, v9  }
0x3d: {  	vm0 =	vmneg vm0  }
0x3e: {  	vm1 =	vmneg vm1;
	vm2 =	vmneg vm2;
	vm3 =	vmneg vm3  }
.LBB2_5:
0x3f: {  	(xrf1) =	vunique.msk.u32 vm0, v2  }
0x40: {  	(xrf1) =	vunique.msk.u32 vm1, v3  }
0x41: {  	(xrf1) =	vunique.msk.u32 vm2, v4;
	_ =	sdelay $0x1  }
0x42: {  	(xrf1) =	vunique.msk.u32 vm3, v5;
	_ =	sdelay $0x9  }
0x43: {  	_, v10, vm4 =	vpop (xrf1)  }
0x44: {  	_, v10, vm5 =	vpop (xrf1)  }
0x45: {  	vm7 =	vmand vm0, vm4;
	vm4 =	vmneg vm4;
	_, v10, vm6 =	vpop (xrf1);
	vm8 =	vmand vm1, vm5  }
0x46: {  	vm5 =	vmneg vm5;
	vm9 =	vmand vm2, vm6;
	vm6 =	vmneg vm6  }
0x47: {  	vm0 =	vmand vm0, vm4;
	vm1 =	vmand vm1, vm5;
	_, v10, vm4 =	vpop (xrf1);
	vm2 =	vmand vm2, vm6  }
0x48: {  	vm5 =	vmand vm3, vm4;
	vm4 =	vmneg vm4;
	vm15 =	vmor vm0, vm1  }
0x49: {  	vm3 =	vmand vm3, vm4;
	vm4 =	vmor vm15, vm2  }
0x4a: {  	vm4 =	vmor vm4, vm3  }
0x4b: {  	v10 =	vsel vm4, $0x3F800000, v1  }
0x4c: {  	(xrf0) =	vmax.scan.msk.f32 $0xffff, v10;
	_ =	sdelay $0x5  }
0x4d: {  	v10, _, _ =	vpop (xrf0)  }
0x4e: {  	(v2sf) =	vpush v10, $0xF;
	_ =	sdelay $0xe  }
0x4f: {  	s6 =	spop (v2sf)  }
0x50: {  	p0 =	sgt.f32 s6, $0.0e+00  }
.Ltmp4:
0x51: {  	_ = 	snop;
	(pc) =	sbr.rel @p0 .LBB2_5-.Ltmp4, $4  }
0x52: {  	[tilespmem:v2+s5+$0x0] =	vst.idx.add.f32.msk vm7, v6  }
0x53: {  	[tilespmem:v3+s5+$0x0] =	vst.idx.add.f32.msk vm8, v7  }
0x54: {  	[tilespmem:v4+s5+$0x0] =	vst.idx.add.f32.msk vm9, v8  }
0x55: {  	[tilespmem:v5+s5+$0x0] =	vst.idx.add.f32.msk vm5, v9  }
.Ltmp5:
0x56: {  	_ = 	snop;
	(pc) =	sbr.rel .LBB2_6-.Ltmp5, $1  }
0x57: {  	_ =	sdelay $0x3  }
.LBB2_7:
0x58: {  	v0 =	vld [tilespmem:$0x9E00]  }
0x59: {  	v1 =	vld [tilespmem:$0x9E10];
	_ =	sdelay $0x3  }
0x5a: {  	(xrf1) =	vunique.msk.u32 $0xffff, v0  }
0x5b: {  	(xrf1) =	vunique.msk.u32 $0xffff, v1;
	_ =	sdelay $0xc  }
0x5c: {  	_, v2, vm2 =	vpop (xrf1)  }
0x5d: {  	_, v2, vm3 =	vpop (xrf1)  }
0x5e: {  	vm0 =	vmneg vm2;
	vm1 =	vmneg vm3  }
0x5f: {  	v2 =	vimm.f32 $0.0e+00;
	vm4 =	vmor vm0, vm1  }
0x60: {  	v3 =	vsel vm4, $0x3F800000, v2  }
0x61: {  	(xrf0) =	vmax.scan.msk.f32 $0xffff, v3;
	_ =	sdelay $0x5  }
0x62: {  	v3, _, _ =	vpop (xrf0)  }
0x63: {  	(v2sf) =	vpush v3, $0xF;
	_ =	sdelay $0x6  }
0x64: {  	v3 =	vld [tilespmem:$0xEC80]  }
0x65: {  	v4 =	vld [tilespmem:$0xEC90];
	_ =	sdelay $0x5  }
0x66: {  	s3 =	simm.s32 $0x0  }
0x67: {  	s4 =	sshrl.u32 s1, $0x3;
	v3 =	vld.idx.msk [tilespmem:v3+s3+$0x0], $0xffff;
	s5 =	spop (v2sf)  }
0x68: {  	s30 =	smul.u32 $0x14000, s4;
	v4 =	vld.idx.msk [tilespmem:v4+s3+$0x0], $0xffff;
	p0 =	sgt.f32 s5, $0.0e+00  }
.Ltmp6:
0x69: {  	s31 =	sshll.u32 s1, $0x7;
	(pc) =	sbr.rel @!p0 .LBB2_9-.Ltmp6, $4  }
0x6a: {  	s4 =	sand.u32 $0x380, s31  }
0x6b: {  	s4 =	sor.u32 s4, s30;
	s3 =	simm.s32 $0x2800  }
0x6c: {  	s4 =	sshrl.u32 s4, $0x3;
	[tilespmem:v0+s3+$0x0] =	vst.idx.add.f32.msk vm2, v3  }
0x6d: {  	s2 =	sadd.s32 s2, s4;
	[tilespmem:v1+s3+$0x0] =	vst.idx.add.f32.msk vm3, v4  }
.LBB2_8:
0x6e: {  	(xrf1) =	vunique.msk.u32 vm0, v0  }
0x6f: {  	(xrf1) =	vunique.msk.u32 vm1, v1;
	_ =	sdelay $0xc  }
0x70: {  	_, v5, vm2 =	vpop (xrf1)  }
0x71: {  	vm3 =	vmand vm0, vm2;
	_, v5, vm4 =	vpop (xrf1)  }
0x72: {  	vm2 =	vmneg vm2;
	vm5 =	vmand vm1, vm4;
	vm4 =	vmneg vm4  }
0x73: {  	vm0 =	vmand vm0, vm2;
	vm1 =	vmand vm1, vm4  }
0x74: {  	vm2 =	vmor vm0, vm1  }
0x75: {  	v5 =	vsel vm2, $0x3F800000, v2  }
0x76: {  	(xrf0) =	vmax.scan.msk.f32 $0xffff, v5;
	_ =	sdelay $0x5  }
0x77: {  	v5, _, _ =	vpop (xrf0)  }
0x78: {  	(v2sf) =	vpush v5, $0xF;
	_ =	sdelay $0xe  }
0x79: {  	s4 =	spop (v2sf)  }
0x7a: {  	p0 =	sgt.f32 s4, $0.0e+00  }
.Ltmp7:
0x7b: {  	_ = 	snop;
	(pc) =	sbr.rel @p0 .LBB2_8-.Ltmp7, $3  }
0x7c: {  	_ =	sdelay $0x1  }
0x7d: {  	[tilespmem:v0+s3+$0x0] =	vst.idx.add.f32.msk vm3, v3  }
0x7e: {  	[tilespmem:v1+s3+$0x0] =	vst.idx.add.f32.msk vm5, v4  }
.LBB2_9:
0x7f: {  	s4 =	simm.s32 $0x80;
	s5 =	simm.s32 $0x400;
	s31 =	simm.s32 $0x1  }
0x80: {  	[hbm4b:s2+s4] =	stream.strided.scatter [tilespmem:s3], [sflag:$0x1], $0x2800, s5, s4, $0x38;
	[tilespmem:$0xED00] =	vst v63  }
0x81: {  	_ =	swait.ge [sflag:s31], $0x2800  }
0x82: {  	[sflag:s31] =	ssyncset.done $0x0  }
0x83: {  	[sflag:s31] =	ssyncadd.s32 $0xFFFFD800  }
0x84: {  	_ =	sfence.sel $0x180000  }
0x85: {  	[bflag:$0x0] =	sbarrier.arrive $0xFFFF  }
0x86: {  	p0 =	sne.s32 s1, $0x0;
	_ =	strace $0x9000004D  }
0x87: {  	s0 =	sadd.s32 @!p0 $0x100000, s0;
	[bflag:$0x2] =	sbarrier.arrive $0xFFFF  }
0x88: {  	[sflag:s0] =	ssyncadd.tile.s32 @!p0 $0x1;
	_ =	shalt  }
.Lfunc_end2:
_tile_overlayer_lowered:
.L_overlay_start_2:
0x89: {  	(tag) =	ssettag $0x2  }
0x8a: {  	s0 =	rddreg [dreg:$0x0];
	s2 =	stileid.u32  }
0x8b: {  	s1 =	rddreg [dreg:$0x1];
	p0 =	sne.s32 s2, $0x0  }
0x8c: {  	s3 =	rddreg [dreg:$0x2];
	[bflag:$0x3] =	sbarrier.arrive $0xFFFF;
	s2 =	simm.s32 @!p0 $0x1C01  }
0x8d: {  	[timem:s3], [sflag:s2] =	dma.local @!p0 [hbm:s0], s1  }
0x8e: {  	s0 =	simm.s32 @!p0 $0x1  }
0x8f: {  	_ =	swait.ge @!p0 [sflag:s0], s1  }
0x90: {  	s1 =	ssub.s32 @!p0 $0x0, s1;
	[sflag:s0] =	ssyncset.done @!p0 $0x0  }
0x91: {  	[sflag:s0] =	ssyncadd.s32 @!p0 s1  }
0x92: {  	[bflag:$0x3] =	sbarrier.arrive $0xFFFF  }
0x93: {  	_ =	shalt  }

// kernel: kernel.9.cloned.1.call-start
scs
__scs_entry_jumppad:
0x0: {  	(pc) =	sbr.rel $0x88, $3  }
0x1: {  	(tag) =	ssettag $0x0;
	lr =	simm.s32 $0x1  }
0x2: {  	[smem:$0x3F9B] =	sst lr;
	_ =	strace $0xD0000000  }
0x3: {  	_ = 	snop  }
0x4: {  	_ = 	snop  }
0x5: {  	_ = 	snop  }
0x6: {  	_ = 	snop  }
0x7: {  	_ = 	snop  }
__scs_overlays_trampoline_lowered:
0x8: {  	[smem:$0x3FAA] =	sst s0  }
0x9: {  	[smem:$0x3FAB] =	sst s1  }
0xa: {  	[smem:$0x3FAC] =	sst s2  }
0xb: {  	[smem:$0x3FAD] =	sst s3  }
0xc: {  	[smem:$0x3FAE] =	sst s4  }
0xd: {  	[smem:$0x3FAF] =	sst s5  }
0xe: {  	[smem:$0x3FB0] =	sst s6  }
0xf: {  	[smem:$0x3FB1] =	sst s7  }
0x10: {  	[smem:$0x3FB2] =	sst s8  }
0x11: {  	[smem:$0x3FB3] =	sst s9;
	s0 =	simm.s32 @!p0 $0x0  }
0x12: {  	s1 =	sld [smem:$0x3F99];
	s0 =	simm.s32 @p0 $0x1  }
0x13: {  	[smem:$0x3FB4] =	sst s0;
	s0 =	simm.s32 @!p1 $0x0  }
0x14: {  	s2 =	sld [smem:$0x3F98];
	s0 =	simm.s32 @p1 $0x1  }
0x15: {  	[smem:$0x3FB5] =	sst s0;
	s0 =	simm.s32 @!p2 $0x0  }
0x16: {  	s3 =	sld [smem:$0x3FDB];
	s0 =	simm.s32 @p2 $0x1  }
0x17: {  	s4 =	simm.s32 $0x1BF5;
	[smem:$0x3FB7] =	sst s0  }
0x18: {  	s0 =	sld [smem:$0x3F9A];
	_ =	swait.ge [sflag:s4], $0x0  }
0x19: {  	s7 =	sld [smem:$0x3F9B]  }
0x1a: {  	s8 =	sadd.s32 $0xFFFFE003, lr  }
0x1b: {  	s9 =	sadd.s32 $0xFFFFFEF7, lr;
	s5 =	simm.s32 $0xFFFFFFFF;
	p2 =	slt.u32 s8, $0xFFFFF086  }
0x1c: {  	p1 =	slt.u32 s9, $0xF7A;
	s5 =	simm.s32 @!p2 $0x0  }
0x1d: {  	s5 =	simm.s32 @p1 $0x1;
	p0 =	seq.s32 s7, s2  }
0x1e: {  	s7 =	smul.u32 @!p0 $0xF7A, s2;
	p2 =	seq.s32 @!p0 s5, $0x0  }
0x1f: {  	s9 =	smul.u32 $0xF7A, s1;
	s8 =	simm.s32 @!p0 $0x1BF5;
	p2 =	por !p2, p0  }
0x20: {  	[sflag:s8] =	ssyncset.s32 @!p0 $0xFFFFF086;
	s6 =	sadd.s32 @!p0 s3, s7;
	s7 =	simm.s32 @!p0 $0x108  }
0x21: {  	s3 =	sadd.s32 s3, s9;
	s6 =	sadd.s32 @!p0 $0x88, s6;
	s7 =	simm.s32 @p2 $0x1082  }
0x22: {  	[simem:s7], [sflag:s8] =	dma.local @!p0 [hbm:s6], $0xF7A  }
0x23: {  	s9 =	sor.u32 $0xD0000000, s2;
	s6 =	simm.s32 $0x108;
	_ =	swait.ge @!p0 [sflag:s8], $0x0  }
0x24: {  	s3 =	sadd.s32 $0x88, s3;
	s6 =	simm.s32 @!p1 $0x1082;
	[sflag:s4] =	ssyncset.s32 $0xFFFFF086  }
0x25: {  	[simem:s6], [sflag:s4] =	dma.local [hbm:s3], $0xF7A  }
0x26: {  	[smem:$0x3F9B] =	sst s1;
	(tag) =	ssettag s2;
	_ =	strace s9  }
0x27: {  	s1 =	sld [smem:$0x3FAB]  }
0x28: {  	s2 =	sld [smem:$0x3FAC]  }
0x29: {  	s4 =	sld [smem:$0x3FAE]  }
0x2a: {  	p0 =	seq.s32 s5, $0x0;
	s5 =	sld [smem:$0x3FAF]  }
0x2b: {  	s6 =	sld [smem:$0x3FB0]  }
0x2c: {  	s7 =	sld [smem:$0x3FB1]  }
0x2d: {  	s3 =	simm.s32 $0x108;
	s8 =	sld [smem:$0x3FB2]  }
0x2e: {  	s3 =	simm.s32 @!p0 $0x1082;
	s9 =	sld [smem:$0x3FB3]  }
0x2f: {  	lr =	sadd.s32 s0, s3;
	s0 =	sld [smem:$0x3FAA]  }
0x30: {  	s3 =	sld [smem:$0x3FAD]  }
0x31: {  	[smem:$0x3FB6] =	sst s10  }
0x32: {  	s10 =	sld [smem:$0x3FB4];
	_ =	sdelay $0x3  }
0x33: {  	p0 =	seq.s32 s10, $0x1;
	s10 =	sld [smem:$0x3FB6];
	_ =	sdelay $0x3  }
0x34: {  	[smem:$0x3FB6] =	sst s10  }
0x35: {  	s10 =	sld [smem:$0x3FB5];
	_ =	sdelay $0x3  }
0x36: {  	p1 =	seq.s32 s10, $0x1;
	s10 =	sld [smem:$0x3FB6];
	_ =	sdelay $0x3  }
0x37: {  	[smem:$0x3FB6] =	sst s10  }
0x38: {  	s10 =	sld [smem:$0x3FB7]  }
0x39: {  	_ = 	snop;
	(pc) =	sbr.ind lr, $3  }
0x3a: {  	_ = 	snop  }
0x3b: {  	_ = 	snop  }
0x3c: {  	p2 =	seq.s32 s10, $0x1;
	s10 =	sld [smem:$0x3FB6]  }
0x3d: {  	_ =	shalt  }
0x3e: {  	_ =	shalt  }
0x3f: {  	_ =	shalt  }
0x40: {  	_ =	shalt  }
0x41: {  	_ =	shalt  }
0x42: {  	_ =	shalt  }
0x43: {  	_ =	shalt  }
0x44: {  	_ =	shalt  }
0x45: {  	_ =	shalt  }
0x46: {  	_ =	shalt  }
0x47: {  	_ =	shalt  }
0x48: {  	_ =	shalt  }
0x49: {  	_ =	shalt  }
0x4a: {  	_ =	shalt  }
0x4b: {  	_ =	shalt  }
0x4c: {  	_ =	shalt  }
0x4d: {  	_ =	shalt  }
0x4e: {  	_ =	shalt  }
0x4f: {  	_ =	shalt  }
0x50: {  	_ =	shalt  }
0x51: {  	_ =	shalt  }
0x52: {  	_ =	shalt  }
0x53: {  	_ =	shalt  }
0x54: {  	_ =	shalt  }
0x55: {  	_ =	shalt  }
0x56: {  	_ =	shalt  }
0x57: {  	_ =	shalt  }
0x58: {  	_ =	shalt  }
0x59: {  	_ =	shalt  }
0x5a: {  	_ =	shalt  }
0x5b: {  	_ =	shalt  }
0x5c: {  	_ =	shalt  }
0x5d: {  	_ =	shalt  }
0x5e: {  	_ =	shalt  }
0x5f: {  	_ =	shalt  }
0x60: {  	_ =	shalt  }
0x61: {  	_ =	shalt  }
0x62: {  	_ =	shalt  }
0x63: {  	_ =	shalt  }
0x64: {  	_ =	shalt  }
0x65: {  	_ =	shalt  }
0x66: {  	_ =	shalt  }
0x67: {  	_ =	shalt  }
0x68: {  	_ =	shalt  }
0x69: {  	_ =	shalt  }
0x6a: {  	_ =	shalt  }
0x6b: {  	_ =	shalt  }
0x6c: {  	_ =	shalt  }
0x6d: {  	_ =	shalt  }
0x6e: {  	_ =	shalt  }
0x6f: {  	_ =	shalt  }
0x70: {  	_ =	shalt  }
0x71: {  	_ =	shalt  }
0x72: {  	_ =	shalt  }
0x73: {  	_ =	shalt  }
0x74: {  	_ =	shalt  }
0x75: {  	_ =	shalt  }
0x76: {  	_ =	shalt  }
0x77: {  	_ =	shalt  }
0x78: {  	_ =	shalt  }
0x79: {  	_ =	shalt  }
0x7a: {  	_ =	shalt  }
0x7b: {  	_ =	shalt  }
0x7c: {  	_ =	shalt  }
0x7d: {  	_ =	shalt  }
0x7e: {  	_ =	shalt  }
0x7f: {  	_ =	shalt  }
0x80: {  	_ =	shalt  }
0x81: {  	_ =	shalt  }
0x82: {  	_ =	shalt  }
0x83: {  	_ =	shalt  }
0x84: {  	_ =	shalt  }
0x85: {  	_ =	shalt  }
0x86: {  	_ =	shalt  }
0x87: {  	_ =	shalt  }
.Lfunc_end0:
.L_simem_size_0:
called_computation_lowered:
.L_overlay_start_0:
0x88: {  	s0 =	sld [smem:$0x3FD9]  }
0x89: {  	s1 =	sld [smem:$0x3FFE];
	_ =	sdelay $0x3  }
0x8a: {  	s0 =	sadd.s32 s1, s0  }
0x8b: {  	[smem:$0x3FC2] =	sst s0  }
0x8c: {  	_ = 	snop  }
0x8d: {  	(tm) =	ssettm $0x1  }
0x8e: {  	s15 =	sld [smem:$0x3FFB];
	_ =	sdelay $0x3  }
0x8f: {  	_ =	strace s15  }
0x90: {  	s0 =	sld [smem:$0x3FFC];
	_ =	sdelay $0x3  }
0x91: {  	_ =	strace s0  }
0x92: {  	s0 =	sld [smem:$0x3FFD];
	_ =	sdelay $0x3  }
0x93: {  	_ =	strace s0  }
0x94: {  	_ =	strace $0x8FFFFFFF  }
0x95: {  	s16 =	sld [smem:$0x3FDB];
	_ =	sdelay $0x1  }
0x96: {  	s17 =	simm.s32 $_scs_section_size  }
0x97: {  	s2 =	simm.s32 $_size__tile_overlayer_lowered;
	s3 =	simm.s32 $_tile_overlayer_lowered  }
0x98: {  	s20 =	simm.s32 $0x1BFF;
	s19 =	sshll.u32 s3, $0x1;
	s0 =	sadd.s32 s17, s16  }
0x99: {  	s4 =	simm.s32 $0x0;
	s18 =	sshll.u32 s2, $0x1;
	s2 =	sadd.s32 s19, s0  }
0x9a: {  	[timem:s4], [sflag:s20] =	dma.local [hbm:s2], s18  }
0x9b: {  	_ =	swait.ge [sflag:s20], s18  }
0x9c: {  	s1 =	ssub.s32 $0x0, s18;
	[sflag:s20] =	ssyncset.done $0x0  }
0x9d: {  	[sflag:s20] =	ssyncadd.s32 s1;
	_ =	sdelay $0x1  }
0x9e: {  	s21 =	simm.s32 $0x1B8B  }
0x9f: {  	_ =	swait.ge [sflag:s21], $0x1  }
0xa0: {  	[sflag:s21] =	ssyncset.done $0x0  }
0xa1: {  	s23 =	simm.s32 $0x1B8E;
	s22 =	sld [smem:$0x3FFE];
	[sflag:s21] =	ssyncadd.s32 $0xFFFFFFFF  }
0xa2: {  	s24 =	simm.s32 $execute0_lowered;
	[smem:$0x3FD2] =	sst s23  }
0xa3: {  	s2 =	sshll.u32 s24, $0x1;
	_ =	strace $0x80000046;
	[dreg:$0x1] =	wrdreg $0xFFFFFFFF  }
0xa4: {  	s25 =	simm.s32 $_size_execute0_lowered;
	s0 =	sadd.s32 s0, s2;
	[dreg:$0x0] =	wrdreg $0x0  }
0xa5: {  	s2 =	sshll.u32 s25, $0x1;
	[dreg:$0x2] =	wrdreg s0  }
0xa6: {  	[dreg:$0x3] =	wrdreg s2  }
0xa7: {  	[dreg:$0x4] =	wrdreg $0xC0  }
0xa8: {  	_ =	task [dreg:s4], $0x5FFFF  }
0xa9: {  	[dreg:$0x1] =	wrdreg $0xFFFFFFFF  }
0xaa: {  	[dreg:$0x0] =	wrdreg $0x60  }
0xab: {  	[dreg:$0x2] =	wrdreg s22  }
0xac: {  	[dreg:$0x3] =	wrdreg $0x9  }
0xad: {  	_ =	task.clear_ibuf [dreg:s4], $0x4FFFF;
	_ =	strace $0x90000046  }
0xae: {  	s26 =	simm.s32 $0x9;
	_ =	strace $0x80000048  }
0xaf: {  	_ =	swait.ge [sflag:s26], $0x1  }
0xb0: {  	[sflag:s26] =	ssyncadd.s32 $0xFFFFFFFF  }
0xb1: {  	_ =	strace $0x90000048  }
0xb2: {  	_ =	sfence  }
0xb3: {  	s28 =	sld [smem:$0x0];
	_ =	sdelay $0x1  }
0xb4: {  	s29 =	srdreg.scid  }
0xb5: {  	s30 =	sshll.u32 s29, $0xD;
	s31 =	sshrl.u32 s29, $0x2  }
0xb6: {  	s1 =	sand.u32 $0x1, s29;
	s2 =	sand.u32 $0x4000, s30;
	s0 =	sadd.s32 s31, s28  }
0xb7: {  	s1 =	sor.u32 s2, s1;
	s0 =	sshll.u32 s0, $0x11  }
0xb8: {  	s0 =	sor.u32 s0, s1  }
0xb9: {  	s0 =	sadd.s32 $0x8F2B, s0  }
0xba: {  	[sflag:s0] =	ssyncadd.remote.s32 $0x1  }
0xbb: {  	_ =	sfence.sel $0xFFFF  }
0xbc: {  	[dreg:$0x0] =	wrdreg $0xFFFFFFFF;
	(pc) =	sbr.abs _section_cstart, $3  }
0xbd: {  	[dreg:$0x1] =	wrdreg $0xFFFFFFFF  }
0xbe: {  	_ =	task.clear_ibuf [dreg:s4], $0x2FFFF;
	_ =	strace $0x9FFFFFFF  }
0xbf: {  	(tm) =	ssettm $0x7FFFFFFF  }
tec
execute0_lowered:
.L_overlay_start_1:
0x0: {  	(tag) =	ssettag $0x1  }
0x1: {  	s0 =	stileid.u32  }
0x2: {  	s2 =	rddreg [dreg:$0x0];
	s4 =	smul.u32 $0x9C4, s0  }
0x3: {  	s1 =	rddreg [dreg:$0x1];
	s3 =	simm.s32 $0x0  }
0x4: {  	s5 =	simm.s32 $0x2800;
	[smem:$0x7FF] =	sst s3;
	s4 =	sadd.s32 s4, s2  }
0x5: {  	s31 =	simm.s32 $0x1;
	_ =	strace $0x80000047;
	s4 =	sadd.s32 $0x2600, s4  }
0x6: {  	[tilespmem:s5], [sflag:$0x1] =	stream.linear.gather [hbm4b:s4+s3], $0x4E20, $0x38;
	[tilespmem:$0x7680] =	vst v63  }
0x7: {  	_ =	swait.ge [sflag:s31], $0x4E20  }
0x8: {  	[sflag:s31] =	ssyncset.done $0x0  }
0x9: {  	v0 =	vimm.f32 $0.0e+00;
	s2 =	sadd.s32 $0x16200, s2;
	s4 =	simm.s32 $0x0;
	[sflag:s31] =	ssyncadd.s32 $0xFFFFB1E0  }
.LBB2_1:
0xa: {  	p0 =	sne.s32 s4, $0x9FC0  }
.Ltmp0:
0xb: {  	_ = 	snop;
	(pc) =	sbr.rel @p0 .LBB2_1-.Ltmp0, $3  }
0xc: {  	_ =	sdelay $0x1  }
0xd: {  	s5 =	sshra.s32 s4, $0x2  }
0xe: {  	s4 =	sadd.s32 $0x40, s4;
	[tilespmem:s5+$0x0] =	vst v0  }
.Ltmp1:
0xf: {  	(pc) =	sbr.rel .LBB2_3-.Ltmp1, $2  }
0x10: {  	_ =	sdelay $0x2  }
0x11: {  	v0 =	vimm.f32 $1.000000000e+00;
	s4 =	simm.s32 $0x0;
	v1 =	vimm.f32 $0.0e+00  }
.LBB2_6:
0x12: {  	s3 =	sadd.s32 $0x1, s3  }
0x13: {  	p0 =	sne.s32 s3, $0x138  }
.Ltmp2:
0x14: {  	_ = 	snop;
	(pc) =	sbr.rel @!p0 .LBB2_7-.Ltmp2, $1  }
0x15: {  	_ =	sdelay $0x3  }
.LBB2_3:
0x16: {  	s5 =	sshll.u32 s3, $0x6  }
0x17: {  	s5 =	sand.u32 $0x3FFFFFC0, s5  }
0x18: {  	v2 =	vld [tilespmem:s5+$0x2800]  }
0x19: {  	v3 =	vld [tilespmem:s5+$0x2810]  }
0x1a: {  	v4 =	vld [tilespmem:s5+$0x2820]  }
0x1b: {  	v5 =	vld [tilespmem:s5+$0x2830];
	_ =	sdelay $0x1  }
0x1c: {  	(xrf1) =	vunique.msk.u32 $0xffff, v2  }
0x1d: {  	(xrf1) =	vunique.msk.u32 $0xffff, v3  }
0x1e: {  	(xrf1) =	vunique.msk.u32 $0xffff, v4  }
0x1f: {  	(xrf1) =	vunique.msk.u32 $0xffff, v5;
	_ =	sdelay $0xa  }
0x20: {  	_, v6, vm0 =	vpop (xrf1)  }
0x21: {  	_, v6, vm1 =	vpop (xrf1)  }
0x22: {  	_, v6, vm2 =	vpop (xrf1)  }
0x23: {  	_, v6, vm3 =	vpop (xrf1);
	vm4 =	vmand vm1, vm2  }
0x24: {  	vm4 =	vmand vm4, vm3  }
0x25: {  	vm4 =	vmand vm0, vm4  }
0x26: {  	v6 =	vsel vm4, $0x0, v0  }
0x27: {  	(xrf0) =	vmax.scan.msk.f32 $0xffff, v6;
	_ =	sdelay $0x5  }
0x28: {  	v6, _, _ =	vpop (xrf0)  }
0x29: {  	(v2sf) =	vpush v6, $0xF;
	_ =	sdelay $0xe  }
0x2a: {  	s31 =	spop (v2sf)  }
0x2b: {  	p0 =	sgt.f32 s31, $0.0e+00  }
.Ltmp3:
0x2c: {  	_ = 	snop;
	(pc) =	sbr.rel @!p0 .LBB2_6-.Ltmp3, $4  }
0x2d: {  	[tilespmem:v2+s4+$0x0] =	vst.idx.add.f32.msk vm0, v0  }
0x2e: {  	[tilespmem:v3+s4+$0x0] =	vst.idx.add.f32.msk vm1, v0  }
0x2f: {  	[tilespmem:v4+s4+$0x0] =	vst.idx.add.f32.msk vm2, v0  }
0x30: {  	[tilespmem:v5+s4+$0x0] =	vst.idx.add.f32.msk vm3, v0  }
0x31: {  	vm0 =	vmneg vm0  }
0x32: {  	vm1 =	vmneg vm1;
	vm2 =	vmneg vm2;
	vm3 =	vmneg vm3  }
.LBB2_5:
0x33: {  	(xrf1) =	vunique.msk.u32 vm0, v2  }
0x34: {  	(xrf1) =	vunique.msk.u32 vm1, v3  }
0x35: {  	(xrf1) =	vunique.msk.u32 vm2, v4;
	_ =	sdelay $0x1  }
0x36: {  	(xrf1) =	vunique.msk.u32 vm3, v5;
	_ =	sdelay $0x9  }
0x37: {  	_, v6, vm4 =	vpop (xrf1)  }
0x38: {  	_, v6, vm5 =	vpop (xrf1)  }
0x39: {  	vm7 =	vmand vm0, vm4;
	vm4 =	vmneg vm4;
	_, v6, vm6 =	vpop (xrf1);
	vm8 =	vmand vm1, vm5  }
0x3a: {  	vm5 =	vmneg vm5;
	vm9 =	vmand vm2, vm6;
	vm6 =	vmneg vm6  }
0x3b: {  	vm0 =	vmand vm0, vm4;
	vm1 =	vmand vm1, vm5;
	_, v6, vm4 =	vpop (xrf1);
	vm2 =	vmand vm2, vm6  }
0x3c: {  	vm5 =	vmand vm3, vm4;
	vm4 =	vmneg vm4;
	vm15 =	vmor vm0, vm1  }
0x3d: {  	vm3 =	vmand vm3, vm4;
	vm4 =	vmor vm15, vm2  }
0x3e: {  	vm4 =	vmor vm4, vm3  }
0x3f: {  	v6 =	vsel vm4, $0x3F800000, v1  }
0x40: {  	(xrf0) =	vmax.scan.msk.f32 $0xffff, v6;
	_ =	sdelay $0x5  }
0x41: {  	v6, _, _ =	vpop (xrf0)  }
0x42: {  	(v2sf) =	vpush v6, $0xF;
	_ =	sdelay $0xe  }
0x43: {  	s5 =	spop (v2sf)  }
0x44: {  	p0 =	sgt.f32 s5, $0.0e+00  }
.Ltmp4:
0x45: {  	_ = 	snop;
	(pc) =	sbr.rel @p0 .LBB2_5-.Ltmp4, $4  }
0x46: {  	[tilespmem:v2+s4+$0x0] =	vst.idx.add.f32.msk vm7, v0  }
0x47: {  	[tilespmem:v3+s4+$0x0] =	vst.idx.add.f32.msk vm8, v0  }
0x48: {  	[tilespmem:v4+s4+$0x0] =	vst.idx.add.f32.msk vm9, v0  }
0x49: {  	[tilespmem:v5+s4+$0x0] =	vst.idx.add.f32.msk vm5, v0  }
.Ltmp5:
0x4a: {  	_ = 	snop;
	(pc) =	sbr.rel .LBB2_6-.Ltmp5, $1  }
0x4b: {  	_ =	sdelay $0x3  }
.LBB2_7:
0x4c: {  	v0 =	vld [tilespmem:$0x7600]  }
0x4d: {  	v1 =	vld [tilespmem:$0x7610];
	_ =	sdelay $0x3  }
0x4e: {  	(xrf1) =	vunique.msk.u32 $0xffff, v0  }
0x4f: {  	(xrf1) =	vunique.msk.u32 $0xffff, v1;
	_ =	sdelay $0xc  }
0x50: {  	_, v2, vm2 =	vpop (xrf1)  }
0x51: {  	_, v2, vm3 =	vpop (xrf1)  }
0x52: {  	vm0 =	vmneg vm2;
	vm1 =	vmneg vm3  }
0x53: {  	v2 =	vimm.f32 $0.0e+00;
	vm4 =	vmor vm0, vm1  }
0x54: {  	v3 =	vsel vm4, $0x3F800000, v2  }
0x55: {  	(xrf0) =	vmax.scan.msk.f32 $0xffff, v3;
	_ =	sdelay $0x5  }
0x56: {  	v3, _, _ =	vpop (xrf0)  }
0x57: {  	(v2sf) =	vpush v3, $0xF;
	_ =	sdelay $0xe  }
0x58: {  	s3 =	sshrl.u32 s0, $0x3;
	s5 =	spop (v2sf)  }
0x59: {  	s3 =	smul.u32 $0x14000, s3;
	p0 =	sgt.f32 s5, $0.0e+00  }
.Ltmp6:
0x5a: {  	s4 =	sshll.u32 s0, $0x7;
	(pc) =	sbr.rel @!p0 .LBB2_9-.Ltmp6, $4  }
0x5b: {  	s4 =	sand.u32 $0x380, s4  }
0x5c: {  	s4 =	sor.u32 s4, s3;
	s3 =	simm.s32 $0x0;
	v3 =	vimm.f32 $1.000000000e+00  }
0x5d: {  	s4 =	sshrl.u32 s4, $0x3;
	[tilespmem:v0+s3+$0x0] =	vst.idx.add.f32.msk vm2, v3  }
0x5e: {  	s2 =	sadd.s32 s2, s4;
	[tilespmem:v1+s3+$0x0] =	vst.idx.add.f32.msk vm3, v3  }
.LBB2_8:
0x5f: {  	(xrf1) =	vunique.msk.u32 vm0, v0  }
0x60: {  	(xrf1) =	vunique.msk.u32 vm1, v1;
	_ =	sdelay $0xc  }
0x61: {  	_, v4, vm2 =	vpop (xrf1)  }
0x62: {  	vm3 =	vmand vm0, vm2;
	_, v4, vm4 =	vpop (xrf1)  }
0x63: {  	vm2 =	vmneg vm2;
	vm5 =	vmand vm1, vm4;
	vm4 =	vmneg vm4  }
0x64: {  	vm0 =	vmand vm0, vm2;
	vm1 =	vmand vm1, vm4  }
0x65: {  	vm2 =	vmor vm0, vm1  }
0x66: {  	v4 =	vsel vm2, $0x3F800000, v2  }
0x67: {  	(xrf0) =	vmax.scan.msk.f32 $0xffff, v4;
	_ =	sdelay $0x5  }
0x68: {  	v4, _, _ =	vpop (xrf0)  }
0x69: {  	(v2sf) =	vpush v4, $0xF;
	_ =	sdelay $0xe  }
0x6a: {  	s4 =	spop (v2sf)  }
0x6b: {  	p0 =	sgt.f32 s4, $0.0e+00  }
.Ltmp7:
0x6c: {  	_ = 	snop;
	(pc) =	sbr.rel @p0 .LBB2_8-.Ltmp7, $3  }
0x6d: {  	_ =	sdelay $0x1  }
0x6e: {  	[tilespmem:v0+s3+$0x0] =	vst.idx.add.f32.msk vm3, v3  }
0x6f: {  	[tilespmem:v1+s3+$0x0] =	vst.idx.add.f32.msk vm5, v3  }
.LBB2_9:
0x70: {  	s4 =	simm.s32 $0x80;
	s5 =	simm.s32 $0x400;
	s31 =	simm.s32 $0x1  }
0x71: {  	[hbm4b:s2+s4] =	stream.strided.scatter [tilespmem:s3], [sflag:$0x1], $0x2800, s5, s4, $0x38;
	[tilespmem:$0x7680] =	vst v63  }
0x72: {  	_ =	swait.ge [sflag:s31], $0x2800  }
0x73: {  	[sflag:s31] =	ssyncset.done $0x0  }
0x74: {  	[sflag:s31] =	ssyncadd.s32 $0xFFFFD800  }
0x75: {  	_ =	sfence.sel $0x180000  }
0x76: {  	[bflag:$0x0] =	sbarrier.arrive $0xFFFF  }
0x77: {  	p0 =	sne.s32 s0, $0x0;
	_ =	strace $0x90000047  }
0x78: {  	s0 =	sadd.s32 @!p0 $0x100000, s1;
	[bflag:$0x2] =	sbarrier.arrive $0xFFFF  }
0x79: {  	[sflag:s0] =	ssyncadd.tile.s32 @!p0 $0x1;
	_ =	shalt  }
.Lfunc_end2:
_tile_overlayer_lowered:
.L_overlay_start_2:
0x7a: {  	(tag) =	ssettag $0x2  }
0x7b: {  	s0 =	rddreg [dreg:$0x0];
	s2 =	stileid.u32  }
0x7c: {  	s1 =	rddreg [dreg:$0x1];
	p0 =	sne.s32 s2, $0x0  }
0x7d: {  	s3 =	rddreg [dreg:$0x2];
	[bflag:$0x3] =	sbarrier.arrive $0xFFFF;
	s2 =	simm.s32 @!p0 $0x1C01  }
0x7e: {  	[timem:s3], [sflag:s2] =	dma.local @!p0 [hbm:s0], s1  }
0x7f: {  	s0 =	simm.s32 @!p0 $0x1  }
0x80: {  	_ =	swait.ge @!p0 [sflag:s0], s1  }
0x81: {  	s1 =	ssub.s32 @!p0 $0x0, s1;
	[sflag:s0] =	ssyncset.done @!p0 $0x0  }
0x82: {  	[sflag:s0] =	ssyncadd.s32 @!p0 s1  }
0x83: {  	[bflag:$0x3] =	sbarrier.arrive $0xFFFF  }
0x84: {  	_ =	shalt  }

</sc_bundles>
